<compile_context>
chip_gen: v7x
topology: tpu7x:2x2x1
jax: 0.10.2.dev20260603
libtpu: 0.0.44.dev20260713+nightly
codegen_flags: <defaults>
</compile_context>

<pallas_src>
import functools

import jax
import jax.numpy as jnp
from jax import lax
from jax.experimental import pallas as pl
from jax.experimental.pallas import tpu as pltpu
from jax.experimental.pallas import tpu_sc as plsc

K = 8
GLOBAL_COEFF = 0.5
EPS = 1e-8
NSPLIT = 2
NC, NS = 2, 16
NW = NC * NS


def _dot3(a, b_hi, b_lo, dims):
    a_hi = a.astype(jnp.bfloat16)
    a_lo = (a - a_hi.astype(jnp.float32)).astype(jnp.bfloat16)
    d = functools.partial(jax.lax.dot_general, dimension_numbers=dims,
                          preferred_element_type=jnp.float32)
    return d(a_hi, b_hi) + (d(a_hi, b_lo) + d(a_lo, b_hi))


def _score_body(nsteps, P, ppg_ref, *refs):
    k_refs = refs[:NSPLIT]
    idx_ref, ssum_ref, ent_ref, score_ref = refs[NSPLIT:]
    i = pl.program_id(0)
    tile_p = k_refs[0].shape[0]
    dims = (((1,), (1,)), ((), ()))

    ppg = ppg_ref[...]
    na = jnp.sqrt(jnp.sum(ppg * ppg, axis=1, keepdims=True))

    for part, k_ref in enumerate(k_refs):
        keys = k_ref[...]
        k_hi = keys.astype(jnp.bfloat16)
        k_lo = (keys - k_hi.astype(jnp.float32)).astype(jnp.bfloat16)
        dot = _dot3(ppg, k_hi, k_lo, dims)

        nb = jnp.sqrt(jnp.sum(keys * keys, axis=1, keepdims=True)).T
        denom = jnp.maximum(na, EPS) * jnp.maximum(nb, EPS)
        off = (NSPLIT * i + part) * tile_p
        score_ref[:, pl.ds(off, tile_p)] = 1.0 - dot / denom

    @pl.when(i == nsteps - 1)
    def _finalize():
        score = score_ref[...]
        bz = score.shape[0]
        iota = lax.broadcasted_iota(jnp.int32, (bz, P), 1)

        mx = jnp.max(score, axis=1, keepdims=True)
        ex = jnp.exp(score - mx)
        se = jnp.sum(ex, axis=1, keepdims=True)
        logp = (score - mx) - jnp.log(se)
        ent_ref[0, 0] = -jnp.sum((ex / se) * logp)

        work = score
        cols = []
        total = 0.0
        for _ in range(K):
            mv = jnp.min(work, axis=1, keepdims=True)
            first = jnp.min(jnp.where(work == mv, iota, P), axis=1,
                            keepdims=True)
            cols.append(first)
            total += jnp.sum(mv)
            work = jnp.where(iota == first, jnp.inf, work)
        idx_ref[...] = jnp.concatenate(cols, axis=1)
        ssum_ref[0, 0] = total


def _sc_gather_body(bpw, prompt_hbm, idx_hbm, ppg_hbm, out_hbm,
                    idx_v, rows_v, ppg_v, out_v, sem0, sem1):
    c = lax.axis_index("c")
    s = lax.axis_index("s")
    wid = s * NC + c
    base = wid * bpw
    d = ppg_v.shape[1]
    sems = (sem0, sem1)

    pltpu.sync_copy(idx_hbm.at[pl.ds(base, bpw)], idx_v)
    ppg_cp = pltpu.async_copy(ppg_hbm.at[pl.ds(base, bpw)], ppg_v, sem1)

    def start(j):
        pltpu.async_copy(prompt_hbm.at[idx_v.at[j]], rows_v.at[j % 2],
                         sems[j % 2])

    start(0)
    ppg_cp.wait()
    for j in range(bpw):
        if j + 1 < bpw:
            start(j + 1)
        pltpu.make_async_copy(prompt_hbm.at[idx_v.at[j]], rows_v.at[j % 2],
                              sems[j % 2]).wait()
        rows = rows_v.at[j % 2]

        @plsc.parallel_loop(0, d // 16, unroll=8)
        def col_body(ci):
            sl = pl.ds(ci * 16, 16)
            acc = rows[0, sl]
            for r in range(1, K):
                acc = acc + rows[r, sl]
            out_v[j, sl] = ppg_v[j, sl] + GLOBAL_COEFF * acc

    pltpu.sync_copy(out_v, out_hbm.at[pl.ds(base, bpw)])


def kernel(ppg, keys, prompt):
    bz, _, d = ppg.shape
    p = keys.shape[0]
    ppg2d = ppg.reshape(bz, d)

    tile_p = 128
    nsteps = p // (NSPLIT * tile_p)

    def _map(part):
        return lambda i: (NSPLIT * i + part, 0)

    idx, ssum, ent = pl.pallas_call(
        functools.partial(_score_body, nsteps, p),
        grid=(nsteps,),
        in_specs=[pl.BlockSpec((bz, d), lambda i: (0, 0))]
                 + [pl.BlockSpec((tile_p, d), _map(part))
                    for part in range(NSPLIT)],
        out_specs=[
            pl.BlockSpec((bz, K), lambda i: (0, 0)),
            pl.BlockSpec(memory_space=pltpu.SMEM),
            pl.BlockSpec(memory_space=pltpu.SMEM),
        ],
        out_shape=[
            jax.ShapeDtypeStruct((bz, K), jnp.int32),
            jax.ShapeDtypeStruct((1, 1), jnp.float32),
            jax.ShapeDtypeStruct((1, 1), jnp.float32),
        ],
        scratch_shapes=[pltpu.VMEM((bz, p), jnp.float32)],
    )(ppg2d, *([keys] * NSPLIT))

    bpw = bz // NW
    mesh = plsc.VectorSubcoreMesh(core_axis_name="c", subcore_axis_name="s")
    prompted = pl.kernel(
        functools.partial(_sc_gather_body, bpw),
        out_type=jax.ShapeDtypeStruct((bz, d), jnp.float32),
        mesh=mesh,
        scratch_types=[
            pltpu.VMEM((bpw, K), jnp.int32),
            pltpu.VMEM((2, K, d), jnp.float32),
            pltpu.VMEM((bpw, d), jnp.float32),
            pltpu.VMEM((bpw, d), jnp.float32),
            pltpu.SemaphoreType.DMA,
            pltpu.SemaphoreType.DMA,
        ],
    )(prompt, idx, ppg2d)

    return prompted.reshape(bz, 1, d), ssum[0, 0], ent[0, 0]

# --- scband reference (transcript-rebuilt; emitter-appended) ---
"""Pipeline reference for scband-l2-prompt-88545045775200 (READ-ONLY COPY).

The authoritative reference and input builder live on the scoring server;
editing this copy changes nothing except your own understanding.
"""

import jax, jax.numpy as jnp
import numpy as np

BZ = 128
P = 1024
D = 4096
K = 8
GLOBAL_COEFF = 0.5
GLONORM = False
X_MIN = 0.0
X_MAX = 1.0


def setup_inputs(seed: int = 0) -> dict:
    key = jax.random.key(seed)
    k1, k2, k3 = jax.random.split(key, 3)
    ppg = jax.random.normal(k1, (BZ, 1, D), dtype=jnp.float32)
    keys = jax.random.normal(k2, (P, D), dtype=jnp.float32)
    prompt = jax.random.normal(k3, (P, D), dtype=jnp.float32)
    return {"ppg": ppg, "keys": keys, "prompt": prompt}


def _cosine_similarity(a, b, eps=1e-8):
    # a: [bz, 1, D], b: [P, D]; broadcast over pool dim like torch F.cosine_similarity
    dot = jnp.sum(a * b, axis=-1)               # [bz, P]
    na = jnp.sqrt(jnp.sum(a * a, axis=-1))      # [bz, 1]
    nb = jnp.sqrt(jnp.sum(b * b, axis=-1))      # [P]
    denom = jnp.maximum(na, eps) * jnp.maximum(nb, eps)
    return dot / denom


def _global_normalizer(prompt, x_min, x_max):
    p_max = jnp.max(prompt, axis=-1, keepdims=True)
    p_min = jnp.min(prompt, axis=-1, keepdims=True)
    scale = (x_max - x_min) / (p_max - p_min)
    return scale * (prompt - p_min) + x_min


def reference(ppg, keys, prompt):
    bz = ppg.shape[0]
    score_ = 1.0 - _cosine_similarity(ppg, keys)           # [bz, P]
    neg_vals, idx = jax.lax.top_k(-score_, K)              # k smallest (largest=False)
    probs = jax.nn.softmax(score_, axis=-1)
    entropy = -jnp.sum(probs * jnp.log(probs))
    # mask / m_ construction: 1 at top-k selected pool slots, else 0
    m_ = jnp.zeros((bz, P), dtype=score_.dtype).at[jnp.arange(bz)[:, None], idx].set(1.0)
    score = score_ * m_
    mask = m_[:, :, None]                                  # [bz, P, 1]
    prompt_sum = jnp.sum(prompt[None, :, :] * mask, axis=1)[:, None, :]  # [bz, 1, D]
    if GLONORM:
        prompt_sum = _global_normalizer(prompt_sum, X_MIN, X_MAX)
    prompted = ppg + GLOBAL_COEFF * prompt_sum
    return prompted, jnp.sum(score), entropy

if __name__ == "__main__":
    import jax
    _d = setup_inputs()
    print(jax.jit(kernel)(*tuple(_d.values())))

</pallas_src>

<mosaic_0001>
#map = affine_map<(d0, d1) -> (0, 0)>
module attributes {stable_mosaic.version = 14 : i64} {
  func.func @_sc_gather_body(%arg0: i32, %arg1: i32, %arg2: memref<1024x4096xf32, #tpu.memory_space<hbm>>, %arg3: memref<128x8xi32, #tpu.memory_space<hbm>>, %arg4: memref<128x4096xf32, #tpu.memory_space<hbm>>, %arg5: memref<128x4096xf32, #tpu.memory_space<hbm>>, %arg6: memref<4x8xi32, #tpu.memory_space<vmem>>, %arg7: memref<2x8x4096xf32, #tpu.memory_space<vmem>>, %arg8: memref<4x4096xf32, #tpu.memory_space<vmem>>, %arg9: memref<4x4096xf32, #tpu.memory_space<vmem>>, %arg10: memref<!tpu.dma_semaphore, #tpu.memory_space<semaphore_mem>>, %arg11: memref<!tpu.dma_semaphore, #tpu.memory_space<semaphore_mem>>) attributes {dimension_semantics = [#tpu.dimension_semantics<core_parallel>, #tpu.dimension_semantics<subcore_parallel>], iteration_bounds = array<i64: 2, 16>, scalar_prefetch = 0 : i64, scratch_operands = 6 : i64, tpu.core_type = #tpu.core_type<sc_vector_subcore>, window_params = [{transform_indices = #map}, {transform_indices = #map}, {transform_indices = #map}, {transform_indices = #map}]} {
    %mul3A = arith.constant 2 : i32
    %mul3A_0 = arith.muli %arg1, %mul3A : i32
    %add3A = arith.addi %mul3A_0, %arg0 : i32
    %mul3A_1 = arith.constant 4 : i32
    %mul3A_2 = arith.muli %add3A, %mul3A_1 : i32
    "tpu.region"() ({
      %run_scoped3A = tpu.sem_alloc : memref<!tpu.dma_semaphore, #tpu.memory_space<semaphore_mem>>
      %dma_start3A_120 = arith.constant 0 : i32
      %dma_start3A_121 = tpu.memref_slice %arg3[%mul3A_2, %dma_start3A_120] : memref<128x8xi32, #tpu.memory_space<hbm>> -> memref<4x8xi32, #tpu.memory_space<hbm>>
      %dma_start3A_122 = arith.constant 0 : i32
      %dma_start3A_123 = tpu.memref_slice %arg3[%mul3A_2, %dma_start3A_122] : memref<128x8xi32, #tpu.memory_space<hbm>> -> memref<4x8xi32, #tpu.memory_space<hbm>>
      tpu.enqueue_dma source(%dma_start3A_123 : memref<4x8xi32, #tpu.memory_space<hbm>>) target(%arg6 : memref<4x8xi32, #tpu.memory_space<vmem>>) target_semaphore(%run_scoped3A : memref<!tpu.dma_semaphore, #tpu.memory_space<semaphore_mem>>)
      %dma_wait3A_124 = arith.constant 0 : i32
      %dma_wait3A_125 = tpu.memref_slice %arg3[%mul3A_2, %dma_wait3A_124] : memref<128x8xi32, #tpu.memory_space<hbm>> -> memref<4x8xi32, #tpu.memory_space<hbm>>
      %dma_wait3A_126 = arith.constant 0 : i32
      %dma_wait3A_127 = tpu.memref_slice %arg3[%mul3A_2, %dma_wait3A_126] : memref<128x8xi32, #tpu.memory_space<hbm>> -> memref<4x8xi32, #tpu.memory_space<hbm>>
      tpu.wait_dma2 semaphore(%run_scoped3A : memref<!tpu.dma_semaphore, #tpu.memory_space<semaphore_mem>>) src(%dma_wait3A_127 : memref<4x8xi32, #tpu.memory_space<hbm>>) dst(%arg6 : memref<4x8xi32, #tpu.memory_space<vmem>>)
      tpu.yield
    }) : () -> ()
    %dma_start3A = arith.constant 0 : i32
    %dma_start3A_3 = tpu.memref_slice %arg4[%mul3A_2, %dma_start3A] : memref<128x4096xf32, #tpu.memory_space<hbm>> -> memref<4x4096xf32, #tpu.memory_space<hbm>>
    %dma_start3A_4 = arith.constant 0 : i32
    %dma_start3A_5 = tpu.memref_slice %arg4[%mul3A_2, %dma_start3A_4] : memref<128x4096xf32, #tpu.memory_space<hbm>> -> memref<4x4096xf32, #tpu.memory_space<hbm>>
    tpu.enqueue_dma source(%dma_start3A_5 : memref<4x4096xf32, #tpu.memory_space<hbm>>) target(%arg8 : memref<4x4096xf32, #tpu.memory_space<vmem>>) target_semaphore(%arg11 : memref<!tpu.dma_semaphore, #tpu.memory_space<semaphore_mem>>)
    %dma_start3A_6 = arith.constant 0 : i32
    %dma_start3A_7 = arith.constant 0 : i32
    %dma_start3A_8 = arith.constant 0 : i32
    %dma_start3A_9 = arith.constant 0 : i32
    %dma_start3A_10 = tpu.memref_slice %arg7[%dma_start3A_7, %dma_start3A_8, %dma_start3A_9] : memref<2x8x4096xf32, #tpu.memory_space<vmem>> -> memref<1x8x4096xf32, #tpu.memory_space<vmem>>
    %dma_start3A_11 = tpu.memref_squeeze %dma_start3A_10 : memref<1x8x4096xf32, #tpu.memory_space<vmem>> -> memref<8x4096xf32, #tpu.memory_space<vmem>>
    %dma_start3A_12 = arith.constant 0 : i32
    %dma_start3A_13 = tpu.memref_slice %arg6[%dma_start3A_6, %dma_start3A_12] : memref<4x8xi32, #tpu.memory_space<vmem>> -> memref<1x8xi32, #tpu.memory_space<vmem>>
    %dma_start3A_14 = tpu.memref_squeeze %dma_start3A_13 : memref<1x8xi32, #tpu.memory_space<vmem>> -> memref<8xi32, #tpu.memory_space<vmem>>
    %dma_start3A_15 = arith.constant 0 : i32
    %dma_start3A_16 = arith.constant 0 : i32
    %dma_start3A_17 = tpu.memref_slice %arg2[%dma_start3A_15, %dma_start3A_16] : memref<1024x4096xf32, #tpu.memory_space<hbm>> -> memref<1024x4096xf32, #tpu.memory_space<hbm>>
    tpu.enqueue_indirect_dma source(%dma_start3A_17 : memref<1024x4096xf32, #tpu.memory_space<hbm>>) target(%dma_start3A_11 : memref<8x4096xf32, #tpu.memory_space<vmem>>) offsets(%dma_start3A_14 : memref<8xi32, #tpu.memory_space<vmem>>) semaphore(%arg10 : memref<!tpu.dma_semaphore, #tpu.memory_space<semaphore_mem>>)
    %dma_wait3A = arith.constant 0 : i32
    %dma_wait3A_18 = tpu.memref_slice %arg4[%mul3A_2, %dma_wait3A] : memref<128x4096xf32, #tpu.memory_space<hbm>> -> memref<4x4096xf32, #tpu.memory_space<hbm>>
    %dma_wait3A_19 = arith.constant 0 : i32
    %dma_wait3A_20 = tpu.memref_slice %arg4[%mul3A_2, %dma_wait3A_19] : memref<128x4096xf32, #tpu.memory_space<hbm>> -> memref<4x4096xf32, #tpu.memory_space<hbm>>
    tpu.wait_dma2 semaphore(%arg11 : memref<!tpu.dma_semaphore, #tpu.memory_space<semaphore_mem>>) src(%dma_wait3A_20 : memref<4x4096xf32, #tpu.memory_space<hbm>>) dst(%arg8 : memref<4x4096xf32, #tpu.memory_space<vmem>>)
    %dma_start3A_21 = arith.constant 1 : i32
    %dma_start3A_22 = arith.constant 1 : i32
    %dma_start3A_23 = arith.constant 0 : i32
    %dma_start3A_24 = arith.constant 0 : i32
    %dma_start3A_25 = tpu.memref_slice %arg7[%dma_start3A_22, %dma_start3A_23, %dma_start3A_24] : memref<2x8x4096xf32, #tpu.memory_space<vmem>> -> memref<1x8x4096xf32, #tpu.memory_space<vmem>>
    %dma_start3A_26 = tpu.memref_squeeze %dma_start3A_25 : memref<1x8x4096xf32, #tpu.memory_space<vmem>> -> memref<8x4096xf32, #tpu.memory_space<vmem>>
    %dma_start3A_27 = arith.constant 0 : i32
    %dma_start3A_28 = tpu.memref_slice %arg6[%dma_start3A_21, %dma_start3A_27] : memref<4x8xi32, #tpu.memory_space<vmem>> -> memref<1x8xi32, #tpu.memory_space<vmem>>
    %dma_start3A_29 = tpu.memref_squeeze %dma_start3A_28 : memref<1x8xi32, #tpu.memory_space<vmem>> -> memref<8xi32, #tpu.memory_space<vmem>>
    %dma_start3A_30 = arith.constant 0 : i32
    %dma_start3A_31 = arith.constant 0 : i32
    %dma_start3A_32 = tpu.memref_slice %arg2[%dma_start3A_30, %dma_start3A_31] : memref<1024x4096xf32, #tpu.memory_space<hbm>> -> memref<1024x4096xf32, #tpu.memory_space<hbm>>
    tpu.enqueue_indirect_dma source(%dma_start3A_32 : memref<1024x4096xf32, #tpu.memory_space<hbm>>) target(%dma_start3A_26 : memref<8x4096xf32, #tpu.memory_space<vmem>>) offsets(%dma_start3A_29 : memref<8xi32, #tpu.memory_space<vmem>>) semaphore(%arg11 : memref<!tpu.dma_semaphore, #tpu.memory_space<semaphore_mem>>)
    %dma_wait3A_33 = arith.constant 0 : i32
    %dma_wait3A_34 = arith.constant 0 : i32
    %dma_wait3A_35 = arith.constant 0 : i32
    %dma_wait3A_36 = arith.constant 0 : i32
    %dma_wait3A_37 = tpu.memref_slice %arg7[%dma_wait3A_34, %dma_wait3A_35, %dma_wait3A_36] : memref<2x8x4096xf32, #tpu.memory_space<vmem>> -> memref<1x8x4096xf32, #tpu.memory_space<vmem>>
    %dma_wait3A_38 = tpu.memref_squeeze %dma_wait3A_37 : memref<1x8x4096xf32, #tpu.memory_space<vmem>> -> memref<8x4096xf32, #tpu.memory_space<vmem>>
    %dma_wait3A_39 = arith.constant 0 : i32
    %dma_wait3A_40 = tpu.memref_slice %arg6[%dma_wait3A_33, %dma_wait3A_39] : memref<4x8xi32, #tpu.memory_space<vmem>> -> memref<1x8xi32, #tpu.memory_space<vmem>>
    %dma_wait3A_41 = tpu.memref_squeeze %dma_wait3A_40 : memref<1x8xi32, #tpu.memory_space<vmem>> -> memref<8xi32, #tpu.memory_space<vmem>>
    %dma_wait3A_42 = arith.constant 0 : i32
    %dma_wait3A_43 = arith.constant 0 : i32
    %dma_wait3A_44 = tpu.memref_slice %arg2[%dma_wait3A_42, %dma_wait3A_43] : memref<1024x4096xf32, #tpu.memory_space<hbm>> -> memref<1024x4096xf32, #tpu.memory_space<hbm>>
    tpu.wait_indirect_dma semaphore(%arg10 : memref<!tpu.dma_semaphore, #tpu.memory_space<semaphore_mem>>) src(%dma_wait3A_44 : memref<1024x4096xf32, #tpu.memory_space<hbm>>) dst(%dma_wait3A_38 : memref<8x4096xf32, #tpu.memory_space<vmem>>)
    %parallel_loop3A = arith.constant 0 : i32
    %parallel_loop3A_45 = arith.constant 256 : i32
    %parallel_loop3A_46 = arith.constant 1 : i32
    %parallel_loop3A_47 = arith.constant 0 : i32
    scf.for %parallel_loop3A_120 = %parallel_loop3A to %parallel_loop3A_45 step %parallel_loop3A_46  : i32 {
      %parallel_loop3A_121 = arith.constant 16 : i32
      %parallel_loop3A_122 = arith.muli %parallel_loop3A_120, %parallel_loop3A_121 : i32
      %parallel_loop3A_123 = arith.constant 0 : i32
      %parallel_loop3A_124 = arith.constant 0 : i32
      %parallel_loop3A_125 = arith.constant 0 : i32
      %parallel_loop3A_126 = tpu.memref_slice %arg7[%parallel_loop3A_47, %parallel_loop3A_124, %parallel_loop3A_125] : memref<2x8x4096xf32, #tpu.memory_space<vmem>> -> memref<1x8x4096xf32, #tpu.memory_space<vmem>>
      %parallel_loop3A_127 = tpu.memref_squeeze %parallel_loop3A_126 : memref<1x8x4096xf32, #tpu.memory_space<vmem>> -> memref<8x4096xf32, #tpu.memory_space<vmem>>
      %parallel_loop3A_128 = arith.index_cast %parallel_loop3A_123 : i32 to index
      %parallel_loop3A_129 = arith.index_cast %parallel_loop3A_122 : i32 to index
      %parallel_loop3A_130 = tpu.vector_load %parallel_loop3A_127[%parallel_loop3A_128, %parallel_loop3A_129] {strides = array<i32>} : memref<8x4096xf32, #tpu.memory_space<vmem>>, vector<1x16xf32>,
      %parallel_loop3A_131 = vector.shape_cast %parallel_loop3A_130 : vector<1x16xf32> to vector<16xf32>
      %parallel_loop3A_132 = arith.constant 1 : i32
      %parallel_loop3A_133 = arith.constant 0 : i32
      %parallel_loop3A_134 = arith.constant 0 : i32
      %parallel_loop3A_135 = tpu.memref_slice %arg7[%parallel_loop3A_47, %parallel_loop3A_133, %parallel_loop3A_134] : memref<2x8x4096xf32, #tpu.memory_space<vmem>> -> memref<1x8x4096xf32, #tpu.memory_space<vmem>>
      %parallel_loop3A_136 = tpu.memref_squeeze %parallel_loop3A_135 : memref<1x8x4096xf32, #tpu.memory_space<vmem>> -> memref<8x4096xf32, #tpu.memory_space<vmem>>
      %parallel_loop3A_137 = arith.index_cast %parallel_loop3A_132 : i32 to index
      %parallel_loop3A_138 = arith.index_cast %parallel_loop3A_122 : i32 to index
      %parallel_loop3A_139 = tpu.vector_load %parallel_loop3A_136[%parallel_loop3A_137, %parallel_loop3A_138] {strides = array<i32>} : memref<8x4096xf32, #tpu.memory_space<vmem>>, vector<1x16xf32>,
      %parallel_loop3A_140 = vector.shape_cast %parallel_loop3A_139 : vector<1x16xf32> to vector<16xf32>
      %parallel_loop3A_141 = arith.addf %parallel_loop3A_131, %parallel_loop3A_140 : vector<16xf32>
      %parallel_loop3A_142 = arith.constant 2 : i32
      %parallel_loop3A_143 = arith.constant 0 : i32
      %parallel_loop3A_144 = arith.constant 0 : i32
      %parallel_loop3A_145 = tpu.memref_slice %arg7[%parallel_loop3A_47, %parallel_loop3A_143, %parallel_loop3A_144] : memref<2x8x4096xf32, #tpu.memory_space<vmem>> -> memref<1x8x4096xf32, #tpu.memory_space<vmem>>
      %parallel_loop3A_146 = tpu.memref_squeeze %parallel_loop3A_145 : memref<1x8x4096xf32, #tpu.memory_space<vmem>> -> memref<8x4096xf32, #tpu.memory_space<vmem>>
      %parallel_loop3A_147 = arith.index_cast %parallel_loop3A_142 : i32 to index
      %parallel_loop3A_148 = arith.index_cast %parallel_loop3A_122 : i32 to index
      %parallel_loop3A_149 = tpu.vector_load %parallel_loop3A_146[%parallel_loop3A_147, %parallel_loop3A_148] {strides = array<i32>} : memref<8x4096xf32, #tpu.memory_space<vmem>>, vector<1x16xf32>,
      %parallel_loop3A_150 = vector.shape_cast %parallel_loop3A_149 : vector<1x16xf32> to vector<16xf32>
      %parallel_loop3A_151 = arith.addf %parallel_loop3A_141, %parallel_loop3A_150 : vector<16xf32>
      %parallel_loop3A_152 = arith.constant 3 : i32
      %parallel_loop3A_153 = arith.constant 0 : i32
      %parallel_loop3A_154 = arith.constant 0 : i32
      %parallel_loop3A_155 = tpu.memref_slice %arg7[%parallel_loop3A_47, %parallel_loop3A_153, %parallel_loop3A_154] : memref<2x8x4096xf32, #tpu.memory_space<vmem>> -> memref<1x8x4096xf32, #tpu.memory_space<vmem>>
      %parallel_loop3A_156 = tpu.memref_squeeze %parallel_loop3A_155 : memref<1x8x4096xf32, #tpu.memory_space<vmem>> -> memref<8x4096xf32, #tpu.memory_space<vmem>>
      %parallel_loop3A_157 = arith.index_cast %parallel_loop3A_152 : i32 to index
      %parallel_loop3A_158 = arith.index_cast %parallel_loop3A_122 : i32 to index
      %parallel_loop3A_159 = tpu.vector_load %parallel_loop3A_156[%parallel_loop3A_157, %parallel_loop3A_158] {strides = array<i32>} : memref<8x4096xf32, #tpu.memory_space<vmem>>, vector<1x16xf32>,
      %parallel_loop3A_160 = vector.shape_cast %parallel_loop3A_159 : vector<1x16xf32> to vector<16xf32>
      %parallel_loop3A_161 = arith.addf %parallel_loop3A_151, %parallel_loop3A_160 : vector<16xf32>
      %parallel_loop3A_162 = arith.constant 4 : i32
      %parallel_loop3A_163 = arith.constant 0 : i32
      %parallel_loop3A_164 = arith.constant 0 : i32
      %parallel_loop3A_165 = tpu.memref_slice %arg7[%parallel_loop3A_47, %parallel_loop3A_163, %parallel_loop3A_164] : memref<2x8x4096xf32, #tpu.memory_space<vmem>> -> memref<1x8x4096xf32, #tpu.memory_space<vmem>>
      %parallel_loop3A_166 = tpu.memref_squeeze %parallel_loop3A_165 : memref<1x8x4096xf32, #tpu.memory_space<vmem>> -> memref<8x4096xf32, #tpu.memory_space<vmem>>
      %parallel_loop3A_167 = arith.index_cast %parallel_loop3A_162 : i32 to index
      %parallel_loop3A_168 = arith.index_cast %parallel_loop3A_122 : i32 to index
      %parallel_loop3A_169 = tpu.vector_load %parallel_loop3A_166[%parallel_loop3A_167, %parallel_loop3A_168] {strides = array<i32>} : memref<8x4096xf32, #tpu.memory_space<vmem>>, vector<1x16xf32>,
      %parallel_loop3A_170 = vector.shape_cast %parallel_loop3A_169 : vector<1x16xf32> to vector<16xf32>
      %parallel_loop3A_171 = arith.addf %parallel_loop3A_161, %parallel_loop3A_170 : vector<16xf32>
      %parallel_loop3A_172 = arith.constant 5 : i32
      %parallel_loop3A_173 = arith.constant 0 : i32
      %parallel_loop3A_174 = arith.constant 0 : i32
      %parallel_loop3A_175 = tpu.memref_slice %arg7[%parallel_loop3A_47, %parallel_loop3A_173, %parallel_loop3A_174] : memref<2x8x4096xf32, #tpu.memory_space<vmem>> -> memref<1x8x4096xf32, #tpu.memory_space<vmem>>
      %parallel_loop3A_176 = tpu.memref_squeeze %parallel_loop3A_175 : memref<1x8x4096xf32, #tpu.memory_space<vmem>> -> memref<8x4096xf32, #tpu.memory_space<vmem>>
      %parallel_loop3A_177 = arith.index_cast %parallel_loop3A_172 : i32 to index
      %parallel_loop3A_178 = arith.index_cast %parallel_loop3A_122 : i32 to index
      %parallel_loop3A_179 = tpu.vector_load %parallel_loop3A_176[%parallel_loop3A_177, %parallel_loop3A_178] {strides = array<i32>} : memref<8x4096xf32, #tpu.memory_space<vmem>>, vector<1x16xf32>,
      %parallel_loop3A_180 = vector.shape_cast %parallel_loop3A_179 : vector<1x16xf32> to vector<16xf32>
      %parallel_loop3A_181 = arith.addf %parallel_loop3A_171, %parallel_loop3A_180 : vector<16xf32>
      %parallel_loop3A_182 = arith.constant 6 : i32
      %parallel_loop3A_183 = arith.constant 0 : i32
      %parallel_loop3A_184 = arith.constant 0 : i32
      %parallel_loop3A_185 = tpu.memref_slice %arg7[%parallel_loop3A_47, %parallel_loop3A_183, %parallel_loop3A_184] : memref<2x8x4096xf32, #tpu.memory_space<vmem>> -> memref<1x8x4096xf32, #tpu.memory_space<vmem>>
      %parallel_loop3A_186 = tpu.memref_squeeze %parallel_loop3A_185 : memref<1x8x4096xf32, #tpu.memory_space<vmem>> -> memref<8x4096xf32, #tpu.memory_space<vmem>>
      %parallel_loop3A_187 = arith.index_cast %parallel_loop3A_182 : i32 to index
      %parallel_loop3A_188 = arith.index_cast %parallel_loop3A_122 : i32 to index
      %parallel_loop3A_189 = tpu.vector_load %parallel_loop3A_186[%parallel_loop3A_187, %parallel_loop3A_188] {strides = array<i32>} : memref<8x4096xf32, #tpu.memory_space<vmem>>, vector<1x16xf32>,
      %parallel_loop3A_190 = vector.shape_cast %parallel_loop3A_189 : vector<1x16xf32> to vector<16xf32>
      %parallel_loop3A_191 = arith.addf %parallel_loop3A_181, %parallel_loop3A_190 : vector<16xf32>
      %parallel_loop3A_192 = arith.constant 7 : i32
      %parallel_loop3A_193 = arith.constant 0 : i32
      %parallel_loop3A_194 = arith.constant 0 : i32
      %parallel_loop3A_195 = tpu.memref_slice %arg7[%parallel_loop3A_47, %parallel_loop3A_193, %parallel_loop3A_194] : memref<2x8x4096xf32, #tpu.memory_space<vmem>> -> memref<1x8x4096xf32, #tpu.memory_space<vmem>>
      %parallel_loop3A_196 = tpu.memref_squeeze %parallel_loop3A_195 : memref<1x8x4096xf32, #tpu.memory_space<vmem>> -> memref<8x4096xf32, #tpu.memory_space<vmem>>
      %parallel_loop3A_197 = arith.index_cast %parallel_loop3A_192 : i32 to index
      %parallel_loop3A_198 = arith.index_cast %parallel_loop3A_122 : i32 to index
      %parallel_loop3A_199 = tpu.vector_load %parallel_loop3A_196[%parallel_loop3A_197, %parallel_loop3A_198] {strides = array<i32>} : memref<8x4096xf32, #tpu.memory_space<vmem>>, vector<1x16xf32>,
      %parallel_loop3A_200 = vector.shape_cast %parallel_loop3A_199 : vector<1x16xf32> to vector<16xf32>
      %parallel_loop3A_201 = arith.addf %parallel_loop3A_191, %parallel_loop3A_200 : vector<16xf32>
      %parallel_loop3A_202 = arith.constant 0 : i32
      %parallel_loop3A_203 = arith.index_cast %parallel_loop3A_202 : i32 to index
      %parallel_loop3A_204 = arith.index_cast %parallel_loop3A_122 : i32 to index
      %parallel_loop3A_205 = tpu.vector_load %arg8[%parallel_loop3A_203, %parallel_loop3A_204] {strides = array<i32>} : memref<4x4096xf32, #tpu.memory_space<vmem>>, vector<1x16xf32>,
      %parallel_loop3A_206 = vector.shape_cast %parallel_loop3A_205 : vector<1x16xf32> to vector<16xf32>
      %parallel_loop3A_207 = arith.constant 5.000000e-01 : f32
      %parallel_loop3A_208 = vector.broadcast %parallel_loop3A_207 : f32 to vector<16xf32>
      %parallel_loop3A_209 = arith.mulf %parallel_loop3A_208, %parallel_loop3A_201 : vector<16xf32>
      %parallel_loop3A_210 = arith.addf %parallel_loop3A_206, %parallel_loop3A_209 : vector<16xf32>
      %parallel_loop3A_211 = arith.constant 0 : i32
      %parallel_loop3A_212 = arith.index_cast %parallel_loop3A_211 : i32 to index
      %parallel_loop3A_213 = arith.index_cast %parallel_loop3A_122 : i32 to index
      %parallel_loop3A_214 = tpu.vector_load %arg9[%parallel_loop3A_212, %parallel_loop3A_213] {strides = array<i32>} : memref<4x4096xf32, #tpu.memory_space<vmem>>, vector<1x16xf32>,
      %parallel_loop3A_215 = vector.shape_cast %parallel_loop3A_214 : vector<1x16xf32> to vector<16xf32>
      %parallel_loop3A_216 = vector.shape_cast %parallel_loop3A_210 : vector<16xf32> to vector<1x16xf32>
      tpu.vector_store %arg9[%parallel_loop3A_212, %parallel_loop3A_213], %parallel_loop3A_216 {strides = array<i32>} : memref<4x4096xf32, #tpu.memory_space<vmem>>, vector<1x16xf32>,
    } {sc.loop_unroll_factor = 8 : i64, sc.parallel_access}
    %dma_start3A_48 = arith.constant 2 : i32
    %dma_start3A_49 = arith.constant 0 : i32
    %dma_start3A_50 = arith.constant 0 : i32
    %dma_start3A_51 = arith.constant 0 : i32
    %dma_start3A_52 = tpu.memref_slice %arg7[%dma_start3A_49, %dma_start3A_50, %dma_start3A_51] : memref<2x8x4096xf32, #tpu.memory_space<vmem>> -> memref<1x8x4096xf32, #tpu.memory_space<vmem>>
    %dma_start3A_53 = tpu.memref_squeeze %dma_start3A_52 : memref<1x8x4096xf32, #tpu.memory_space<vmem>> -> memref<8x4096xf32, #tpu.memory_space<vmem>>
    %dma_start3A_54 = arith.constant 0 : i32
    %dma_start3A_55 = tpu.memref_slice %arg6[%dma_start3A_48, %dma_start3A_54] : memref<4x8xi32, #tpu.memory_space<vmem>> -> memref<1x8xi32, #tpu.memory_space<vmem>>
    %dma_start3A_56 = tpu.memref_squeeze %dma_start3A_55 : memref<1x8xi32, #tpu.memory_space<vmem>> -> memref<8xi32, #tpu.memory_space<vmem>>
    %dma_start3A_57 = arith.constant 0 : i32
    %dma_start3A_58 = arith.constant 0 : i32
    %dma_start3A_59 = tpu.memref_slice %arg2[%dma_start3A_57, %dma_start3A_58] : memref<1024x4096xf32, #tpu.memory_space<hbm>> -> memref<1024x4096xf32, #tpu.memory_space<hbm>>
    tpu.enqueue_indirect_dma source(%dma_start3A_59 : memref<1024x4096xf32, #tpu.memory_space<hbm>>) target(%dma_start3A_53 : memref<8x4096xf32, #tpu.memory_space<vmem>>) offsets(%dma_start3A_56 : memref<8xi32, #tpu.memory_space<vmem>>) semaphore(%arg10 : memref<!tpu.dma_semaphore, #tpu.memory_space<semaphore_mem>>)
    %dma_wait3A_60 = arith.constant 1 : i32
    %dma_wait3A_61 = arith.constant 1 : i32
    %dma_wait3A_62 = arith.constant 0 : i32
    %dma_wait3A_63 = arith.constant 0 : i32
    %dma_wait3A_64 = tpu.memref_slice %arg7[%dma_wait3A_61, %dma_wait3A_62, %dma_wait3A_63] : memref<2x8x4096xf32, #tpu.memory_space<vmem>> -> memref<1x8x4096xf32, #tpu.memory_space<vmem>>
    %dma_wait3A_65 = tpu.memref_squeeze %dma_wait3A_64 : memref<1x8x4096xf32, #tpu.memory_space<vmem>> -> memref<8x4096xf32, #tpu.memory_space<vmem>>
    %dma_wait3A_66 = arith.constant 0 : i32
    %dma_wait3A_67 = tpu.memref_slice %arg6[%dma_wait3A_60, %dma_wait3A_66] : memref<4x8xi32, #tpu.memory_space<vmem>> -> memref<1x8xi32, #tpu.memory_space<vmem>>
    %dma_wait3A_68 = tpu.memref_squeeze %dma_wait3A_67 : memref<1x8xi32, #tpu.memory_space<vmem>> -> memref<8xi32, #tpu.memory_space<vmem>>
    %dma_wait3A_69 = arith.constant 0 : i32
    %dma_wait3A_70 = arith.constant 0 : i32
    %dma_wait3A_71 = tpu.memref_slice %arg2[%dma_wait3A_69, %dma_wait3A_70] : memref<1024x4096xf32, #tpu.memory_space<hbm>> -> memref<1024x4096xf32, #tpu.memory_space<hbm>>
    tpu.wait_indirect_dma semaphore(%arg11 : memref<!tpu.dma_semaphore, #tpu.memory_space<semaphore_mem>>) src(%dma_wait3A_71 : memref<1024x4096xf32, #tpu.memory_space<hbm>>) dst(%dma_wait3A_65 : memref<8x4096xf32, #tpu.memory_space<vmem>>)
    %parallel_loop3A_72 = arith.constant 0 : i32
    %parallel_loop3A_73 = arith.constant 256 : i32
    %parallel_loop3A_74 = arith.constant 1 : i32
    %parallel_loop3A_75 = arith.constant 1 : i32
    scf.for %parallel_loop3A_120 = %parallel_loop3A_72 to %parallel_loop3A_73 step %parallel_loop3A_74  : i32 {
      %parallel_loop3A_121 = arith.constant 16 : i32
      %parallel_loop3A_122 = arith.muli %parallel_loop3A_120, %parallel_loop3A_121 : i32
      %parallel_loop3A_123 = arith.constant 0 : i32
      %parallel_loop3A_124 = arith.constant 0 : i32
      %parallel_loop3A_125 = arith.constant 0 : i32
      %parallel_loop3A_126 = tpu.memref_slice %arg7[%parallel_loop3A_75, %parallel_loop3A_124, %parallel_loop3A_125] : memref<2x8x4096xf32, #tpu.memory_space<vmem>> -> memref<1x8x4096xf32, #tpu.memory_space<vmem>>
      %parallel_loop3A_127 = tpu.memref_squeeze %parallel_loop3A_126 : memref<1x8x4096xf32, #tpu.memory_space<vmem>> -> memref<8x4096xf32, #tpu.memory_space<vmem>>
      %parallel_loop3A_128 = arith.index_cast %parallel_loop3A_123 : i32 to index
      %parallel_loop3A_129 = arith.index_cast %parallel_loop3A_122 : i32 to index
      %parallel_loop3A_130 = tpu.vector_load %parallel_loop3A_127[%parallel_loop3A_128, %parallel_loop3A_129] {strides = array<i32>} : memref<8x4096xf32, #tpu.memory_space<vmem>>, vector<1x16xf32>,
      %parallel_loop3A_131 = vector.shape_cast %parallel_loop3A_130 : vector<1x16xf32> to vector<16xf32>
      %parallel_loop3A_132 = arith.constant 1 : i32
      %parallel_loop3A_133 = arith.constant 0 : i32
      %parallel_loop3A_134 = arith.constant 0 : i32
      %parallel_loop3A_135 = tpu.memref_slice %arg7[%parallel_loop3A_75, %parallel_loop3A_133, %parallel_loop3A_134] : memref<2x8x4096xf32, #tpu.memory_space<vmem>> -> memref<1x8x4096xf32, #tpu.memory_space<vmem>>
      %parallel_loop3A_136 = tpu.memref_squeeze %parallel_loop3A_135 : memref<1x8x4096xf32, #tpu.memory_space<vmem>> -> memref<8x4096xf32, #tpu.memory_space<vmem>>
      %parallel_loop3A_137 = arith.index_cast %parallel_loop3A_132 : i32 to index
      %parallel_loop3A_138 = arith.index_cast %parallel_loop3A_122 : i32 to index
      %parallel_loop3A_139 = tpu.vector_load %parallel_loop3A_136[%parallel_loop3A_137, %parallel_loop3A_138] {strides = array<i32>} : memref<8x4096xf32, #tpu.memory_space<vmem>>, vector<1x16xf32>,
      %parallel_loop3A_140 = vector.shape_cast %parallel_loop3A_139 : vector<1x16xf32> to vector<16xf32>
      %parallel_loop3A_141 = arith.addf %parallel_loop3A_131, %parallel_loop3A_140 : vector<16xf32>
      %parallel_loop3A_142 = arith.constant 2 : i32
      %parallel_loop3A_143 = arith.constant 0 : i32
      %parallel_loop3A_144 = arith.constant 0 : i32
      %parallel_loop3A_145 = tpu.memref_slice %arg7[%parallel_loop3A_75, %parallel_loop3A_143, %parallel_loop3A_144] : memref<2x8x4096xf32, #tpu.memory_space<vmem>> -> memref<1x8x4096xf32, #tpu.memory_space<vmem>>
      %parallel_loop3A_146 = tpu.memref_squeeze %parallel_loop3A_145 : memref<1x8x4096xf32, #tpu.memory_space<vmem>> -> memref<8x4096xf32, #tpu.memory_space<vmem>>
      %parallel_loop3A_147 = arith.index_cast %parallel_loop3A_142 : i32 to index
      %parallel_loop3A_148 = arith.index_cast %parallel_loop3A_122 : i32 to index
      %parallel_loop3A_149 = tpu.vector_load %parallel_loop3A_146[%parallel_loop3A_147, %parallel_loop3A_148] {strides = array<i32>} : memref<8x4096xf32, #tpu.memory_space<vmem>>, vector<1x16xf32>,
      %parallel_loop3A_150 = vector.shape_cast %parallel_loop3A_149 : vector<1x16xf32> to vector<16xf32>
      %parallel_loop3A_151 = arith.addf %parallel_loop3A_141, %parallel_loop3A_150 : vector<16xf32>
      %parallel_loop3A_152 = arith.constant 3 : i32
      %parallel_loop3A_153 = arith.constant 0 : i32
      %parallel_loop3A_154 = arith.constant 0 : i32
      %parallel_loop3A_155 = tpu.memref_slice %arg7[%parallel_loop3A_75, %parallel_loop3A_153, %parallel_loop3A_154] : memref<2x8x4096xf32, #tpu.memory_space<vmem>> -> memref<1x8x4096xf32, #tpu.memory_space<vmem>>
      %parallel_loop3A_156 = tpu.memref_squeeze %parallel_loop3A_155 : memref<1x8x4096xf32, #tpu.memory_space<vmem>> -> memref<8x4096xf32, #tpu.memory_space<vmem>>
      %parallel_loop3A_157 = arith.index_cast %parallel_loop3A_152 : i32 to index
      %parallel_loop3A_158 = arith.index_cast %parallel_loop3A_122 : i32 to index
      %parallel_loop3A_159 = tpu.vector_load %parallel_loop3A_156[%parallel_loop3A_157, %parallel_loop3A_158] {strides = array<i32>} : memref<8x4096xf32, #tpu.memory_space<vmem>>, vector<1x16xf32>,
      %parallel_loop3A_160 = vector.shape_cast %parallel_loop3A_159 : vector<1x16xf32> to vector<16xf32>
      %parallel_loop3A_161 = arith.addf %parallel_loop3A_151, %parallel_loop3A_160 : vector<16xf32>
      %parallel_loop3A_162 = arith.constant 4 : i32
      %parallel_loop3A_163 = arith.constant 0 : i32
      %parallel_loop3A_164 = arith.constant 0 : i32
      %parallel_loop3A_165 = tpu.memref_slice %arg7[%parallel_loop3A_75, %parallel_loop3A_163, %parallel_loop3A_164] : memref<2x8x4096xf32, #tpu.memory_space<vmem>> -> memref<1x8x4096xf32, #tpu.memory_space<vmem>>
      %parallel_loop3A_166 = tpu.memref_squeeze %parallel_loop3A_165 : memref<1x8x4096xf32, #tpu.memory_space<vmem>> -> memref<8x4096xf32, #tpu.memory_space<vmem>>
      %parallel_loop3A_167 = arith.index_cast %parallel_loop3A_162 : i32 to index
      %parallel_loop3A_168 = arith.index_cast %parallel_loop3A_122 : i32 to index
      %parallel_loop3A_169 = tpu.vector_load %parallel_loop3A_166[%parallel_loop3A_167, %parallel_loop3A_168] {strides = array<i32>} : memref<8x4096xf32, #tpu.memory_space<vmem>>, vector<1x16xf32>,
      %parallel_loop3A_170 = vector.shape_cast %parallel_loop3A_169 : vector<1x16xf32> to vector<16xf32>
      %parallel_loop3A_171 = arith.addf %parallel_loop3A_161, %parallel_loop3A_170 : vector<16xf32>
      %parallel_loop3A_172 = arith.constant 5 : i32
      %parallel_loop3A_173 = arith.constant 0 : i32
      %parallel_loop3A_174 = arith.constant 0 : i32
      %parallel_loop3A_175 = tpu.memref_slice %arg7[%parallel_loop3A_75, %parallel_loop3A_173, %parallel_loop3A_174] : memref<2x8x4096xf32, #tpu.memory_space<vmem>> -> memref<1x8x4096xf32, #tpu.memory_space<vmem>>
      %parallel_loop3A_176 = tpu.memref_squeeze %parallel_loop3A_175 : memref<1x8x4096xf32, #tpu.memory_space<vmem>> -> memref<8x4096xf32, #tpu.memory_space<vmem>>
      %parallel_loop3A_177 = arith.index_cast %parallel_loop3A_172 : i32 to index
      %parallel_loop3A_178 = arith.index_cast %parallel_loop3A_122 : i32 to index
      %parallel_loop3A_179 = tpu.vector_load %parallel_loop3A_176[%parallel_loop3A_177, %parallel_loop3A_178] {strides = array<i32>} : memref<8x4096xf32, #tpu.memory_space<vmem>>, vector<1x16xf32>,
      %parallel_loop3A_180 = vector.shape_cast %parallel_loop3A_179 : vector<1x16xf32> to vector<16xf32>
      %parallel_loop3A_181 = arith.addf %parallel_loop3A_171, %parallel_loop3A_180 : vector<16xf32>
      %parallel_loop3A_182 = arith.constant 6 : i32
      %parallel_loop3A_183 = arith.constant 0 : i32
      %parallel_loop3A_184 = arith.constant 0 : i32
      %parallel_loop3A_185 = tpu.memref_slice %arg7[%parallel_loop3A_75, %parallel_loop3A_183, %parallel_loop3A_184] : memref<2x8x4096xf32, #tpu.memory_space<vmem>> -> memref<1x8x4096xf32, #tpu.memory_space<vmem>>
      %parallel_loop3A_186 = tpu.memref_squeeze %parallel_loop3A_185 : memref<1x8x4096xf32, #tpu.memory_space<vmem>> -> memref<8x4096xf32, #tpu.memory_space<vmem>>
      %parallel_loop3A_187 = arith.index_cast %parallel_loop3A_182 : i32 to index
      %parallel_loop3A_188 = arith.index_cast %parallel_loop3A_122 : i32 to index
      %parallel_loop3A_189 = tpu.vector_load %parallel_loop3A_186[%parallel_loop3A_187, %parallel_loop3A_188] {strides = array<i32>} : memref<8x4096xf32, #tpu.memory_space<vmem>>, vector<1x16xf32>,
      %parallel_loop3A_190 = vector.shape_cast %parallel_loop3A_189 : vector<1x16xf32> to vector<16xf32>
      %parallel_loop3A_191 = arith.addf %parallel_loop3A_181, %parallel_loop3A_190 : vector<16xf32>
      %parallel_loop3A_192 = arith.constant 7 : i32
      %parallel_loop3A_193 = arith.constant 0 : i32
      %parallel_loop3A_194 = arith.constant 0 : i32
      %parallel_loop3A_195 = tpu.memref_slice %arg7[%parallel_loop3A_75, %parallel_loop3A_193, %parallel_loop3A_194] : memref<2x8x4096xf32, #tpu.memory_space<vmem>> -> memref<1x8x4096xf32, #tpu.memory_space<vmem>>
      %parallel_loop3A_196 = tpu.memref_squeeze %parallel_loop3A_195 : memref<1x8x4096xf32, #tpu.memory_space<vmem>> -> memref<8x4096xf32, #tpu.memory_space<vmem>>
      %parallel_loop3A_197 = arith.index_cast %parallel_loop3A_192 : i32 to index
      %parallel_loop3A_198 = arith.index_cast %parallel_loop3A_122 : i32 to index
      %parallel_loop3A_199 = tpu.vector_load %parallel_loop3A_196[%parallel_loop3A_197, %parallel_loop3A_198] {strides = array<i32>} : memref<8x4096xf32, #tpu.memory_space<vmem>>, vector<1x16xf32>,
      %parallel_loop3A_200 = vector.shape_cast %parallel_loop3A_199 : vector<1x16xf32> to vector<16xf32>
      %parallel_loop3A_201 = arith.addf %parallel_loop3A_191, %parallel_loop3A_200 : vector<16xf32>
      %parallel_loop3A_202 = arith.constant 1 : i32
      %parallel_loop3A_203 = arith.index_cast %parallel_loop3A_202 : i32 to index
      %parallel_loop3A_204 = arith.index_cast %parallel_loop3A_122 : i32 to index
      %parallel_loop3A_205 = tpu.vector_load %arg8[%parallel_loop3A_203, %parallel_loop3A_204] {strides = array<i32>} : memref<4x4096xf32, #tpu.memory_space<vmem>>, vector<1x16xf32>,
      %parallel_loop3A_206 = vector.shape_cast %parallel_loop3A_205 : vector<1x16xf32> to vector<16xf32>
      %parallel_loop3A_207 = arith.constant 5.000000e-01 : f32
      %parallel_loop3A_208 = vector.broadcast %parallel_loop3A_207 : f32 to vector<16xf32>
      %parallel_loop3A_209 = arith.mulf %parallel_loop3A_208, %parallel_loop3A_201 : vector<16xf32>
      %parallel_loop3A_210 = arith.addf %parallel_loop3A_206, %parallel_loop3A_209 : vector<16xf32>
      %parallel_loop3A_211 = arith.constant 1 : i32
      %parallel_loop3A_212 = arith.index_cast %parallel_loop3A_211 : i32 to index
      %parallel_loop3A_213 = arith.index_cast %parallel_loop3A_122 : i32 to index
      %parallel_loop3A_214 = tpu.vector_load %arg9[%parallel_loop3A_212, %parallel_loop3A_213] {strides = array<i32>} : memref<4x4096xf32, #tpu.memory_space<vmem>>, vector<1x16xf32>,
      %parallel_loop3A_215 = vector.shape_cast %parallel_loop3A_214 : vector<1x16xf32> to vector<16xf32>
      %parallel_loop3A_216 = vector.shape_cast %parallel_loop3A_210 : vector<16xf32> to vector<1x16xf32>
      tpu.vector_store %arg9[%parallel_loop3A_212, %parallel_loop3A_213], %parallel_loop3A_216 {strides = array<i32>} : memref<4x4096xf32, #tpu.memory_space<vmem>>, vector<1x16xf32>,
    } {sc.loop_unroll_factor = 8 : i64, sc.parallel_access}
    %dma_start3A_76 = arith.constant 3 : i32
    %dma_start3A_77 = arith.constant 1 : i32
    %dma_start3A_78 = arith.constant 0 : i32
    %dma_start3A_79 = arith.constant 0 : i32
    %dma_start3A_80 = tpu.memref_slice %arg7[%dma_start3A_77, %dma_start3A_78, %dma_start3A_79] : memref<2x8x4096xf32, #tpu.memory_space<vmem>> -> memref<1x8x4096xf32, #tpu.memory_space<vmem>>
    %dma_start3A_81 = tpu.memref_squeeze %dma_start3A_80 : memref<1x8x4096xf32, #tpu.memory_space<vmem>> -> memref<8x4096xf32, #tpu.memory_space<vmem>>
    %dma_start3A_82 = arith.constant 0 : i32
    %dma_start3A_83 = tpu.memref_slice %arg6[%dma_start3A_76, %dma_start3A_82] : memref<4x8xi32, #tpu.memory_space<vmem>> -> memref<1x8xi32, #tpu.memory_space<vmem>>
    %dma_start3A_84 = tpu.memref_squeeze %dma_start3A_83 : memref<1x8xi32, #tpu.memory_space<vmem>> -> memref<8xi32, #tpu.memory_space<vmem>>
    %dma_start3A_85 = arith.constant 0 : i32
    %dma_start3A_86 = arith.constant 0 : i32
    %dma_start3A_87 = tpu.memref_slice %arg2[%dma_start3A_85, %dma_start3A_86] : memref<1024x4096xf32, #tpu.memory_space<hbm>> -> memref<1024x4096xf32, #tpu.memory_space<hbm>>
    tpu.enqueue_indirect_dma source(%dma_start3A_87 : memref<1024x4096xf32, #tpu.memory_space<hbm>>) target(%dma_start3A_81 : memref<8x4096xf32, #tpu.memory_space<vmem>>) offsets(%dma_start3A_84 : memref<8xi32, #tpu.memory_space<vmem>>) semaphore(%arg11 : memref<!tpu.dma_semaphore, #tpu.memory_space<semaphore_mem>>)
    %dma_wait3A_88 = arith.constant 2 : i32
    %dma_wait3A_89 = arith.constant 0 : i32
    %dma_wait3A_90 = arith.constant 0 : i32
    %dma_wait3A_91 = arith.constant 0 : i32
    %dma_wait3A_92 = tpu.memref_slice %arg7[%dma_wait3A_89, %dma_wait3A_90, %dma_wait3A_91] : memref<2x8x4096xf32, #tpu.memory_space<vmem>> -> memref<1x8x4096xf32, #tpu.memory_space<vmem>>
    %dma_wait3A_93 = tpu.memref_squeeze %dma_wait3A_92 : memref<1x8x4096xf32, #tpu.memory_space<vmem>> -> memref<8x4096xf32, #tpu.memory_space<vmem>>
    %dma_wait3A_94 = arith.constant 0 : i32
    %dma_wait3A_95 = tpu.memref_slice %arg6[%dma_wait3A_88, %dma_wait3A_94] : memref<4x8xi32, #tpu.memory_space<vmem>> -> memref<1x8xi32, #tpu.memory_space<vmem>>
    %dma_wait3A_96 = tpu.memref_squeeze %dma_wait3A_95 : memref<1x8xi32, #tpu.memory_space<vmem>> -> memref<8xi32, #tpu.memory_space<vmem>>
    %dma_wait3A_97 = arith.constant 0 : i32
    %dma_wait3A_98 = arith.constant 0 : i32
    %dma_wait3A_99 = tpu.memref_slice %arg2[%dma_wait3A_97, %dma_wait3A_98] : memref<1024x4096xf32, #tpu.memory_space<hbm>> -> memref<1024x4096xf32, #tpu.memory_space<hbm>>
    tpu.wait_indirect_dma semaphore(%arg10 : memref<!tpu.dma_semaphore, #tpu.memory_space<semaphore_mem>>) src(%dma_wait3A_99 : memref<1024x4096xf32, #tpu.memory_space<hbm>>) dst(%dma_wait3A_93 : memref<8x4096xf32, #tpu.memory_space<vmem>>)
    %parallel_loop3A_100 = arith.constant 0 : i32
    %parallel_loop3A_101 = arith.constant 256 : i32
    %parallel_loop3A_102 = arith.constant 1 : i32
    %parallel_loop3A_103 = arith.constant 0 : i32
    scf.for %parallel_loop3A_120 = %parallel_loop3A_100 to %parallel_loop3A_101 step %parallel_loop3A_102  : i32 {
      %parallel_loop3A_121 = arith.constant 16 : i32
      %parallel_loop3A_122 = arith.muli %parallel_loop3A_120, %parallel_loop3A_121 : i32
      %parallel_loop3A_123 = arith.constant 0 : i32
      %parallel_loop3A_124 = arith.constant 0 : i32
      %parallel_loop3A_125 = arith.constant 0 : i32
      %parallel_loop3A_126 = tpu.memref_slice %arg7[%parallel_loop3A_103, %parallel_loop3A_124, %parallel_loop3A_125] : memref<2x8x4096xf32, #tpu.memory_space<vmem>> -> memref<1x8x4096xf32, #tpu.memory_space<vmem>>
      %parallel_loop3A_127 = tpu.memref_squeeze %parallel_loop3A_126 : memref<1x8x4096xf32, #tpu.memory_space<vmem>> -> memref<8x4096xf32, #tpu.memory_space<vmem>>
      %parallel_loop3A_128 = arith.index_cast %parallel_loop3A_123 : i32 to index
      %parallel_loop3A_129 = arith.index_cast %parallel_loop3A_122 : i32 to index
      %parallel_loop3A_130 = tpu.vector_load %parallel_loop3A_127[%parallel_loop3A_128, %parallel_loop3A_129] {strides = array<i32>} : memref<8x4096xf32, #tpu.memory_space<vmem>>, vector<1x16xf32>,
      %parallel_loop3A_131 = vector.shape_cast %parallel_loop3A_130 : vector<1x16xf32> to vector<16xf32>
      %parallel_loop3A_132 = arith.constant 1 : i32
      %parallel_loop3A_133 = arith.constant 0 : i32
      %parallel_loop3A_134 = arith.constant 0 : i32
      %parallel_loop3A_135 = tpu.memref_slice %arg7[%parallel_loop3A_103, %parallel_loop3A_133, %parallel_loop3A_134] : memref<2x8x4096xf32, #tpu.memory_space<vmem>> -> memref<1x8x4096xf32, #tpu.memory_space<vmem>>
      %parallel_loop3A_136 = tpu.memref_squeeze %parallel_loop3A_135 : memref<1x8x4096xf32, #tpu.memory_space<vmem>> -> memref<8x4096xf32, #tpu.memory_space<vmem>>
      %parallel_loop3A_137 = arith.index_cast %parallel_loop3A_132 : i32 to index
      %parallel_loop3A_138 = arith.index_cast %parallel_loop3A_122 : i32 to index
      %parallel_loop3A_139 = tpu.vector_load %parallel_loop3A_136[%parallel_loop3A_137, %parallel_loop3A_138] {strides = array<i32>} : memref<8x4096xf32, #tpu.memory_space<vmem>>, vector<1x16xf32>,
      %parallel_loop3A_140 = vector.shape_cast %parallel_loop3A_139 : vector<1x16xf32> to vector<16xf32>
      %parallel_loop3A_141 = arith.addf %parallel_loop3A_131, %parallel_loop3A_140 : vector<16xf32>
      %parallel_loop3A_142 = arith.constant 2 : i32
      %parallel_loop3A_143 = arith.constant 0 : i32
      %parallel_loop3A_144 = arith.constant 0 : i32
      %parallel_loop3A_145 = tpu.memref_slice %arg7[%parallel_loop3A_103, %parallel_loop3A_143, %parallel_loop3A_144] : memref<2x8x4096xf32, #tpu.memory_space<vmem>> -> memref<1x8x4096xf32, #tpu.memory_space<vmem>>
      %parallel_loop3A_146 = tpu.memref_squeeze %parallel_loop3A_145 : memref<1x8x4096xf32, #tpu.memory_space<vmem>> -> memref<8x4096xf32, #tpu.memory_space<vmem>>
      %parallel_loop3A_147 = arith.index_cast %parallel_loop3A_142 : i32 to index
      %parallel_loop3A_148 = arith.index_cast %parallel_loop3A_122 : i32 to index
      %parallel_loop3A_149 = tpu.vector_load %parallel_loop3A_146[%parallel_loop3A_147, %parallel_loop3A_148] {strides = array<i32>} : memref<8x4096xf32, #tpu.memory_space<vmem>>, vector<1x16xf32>,
      %parallel_loop3A_150 = vector.shape_cast %parallel_loop3A_149 : vector<1x16xf32> to vector<16xf32>
      %parallel_loop3A_151 = arith.addf %parallel_loop3A_141, %parallel_loop3A_150 : vector<16xf32>
      %parallel_loop3A_152 = arith.constant 3 : i32
      %parallel_loop3A_153 = arith.constant 0 : i32
      %parallel_loop3A_154 = arith.constant 0 : i32
      %parallel_loop3A_155 = tpu.memref_slice %arg7[%parallel_loop3A_103, %parallel_loop3A_153, %parallel_loop3A_154] : memref<2x8x4096xf32, #tpu.memory_space<vmem>> -> memref<1x8x4096xf32, #tpu.memory_space<vmem>>
      %parallel_loop3A_156 = tpu.memref_squeeze %parallel_loop3A_155 : memref<1x8x4096xf32, #tpu.memory_space<vmem>> -> memref<8x4096xf32, #tpu.memory_space<vmem>>
      %parallel_loop3A_157 = arith.index_cast %parallel_loop3A_152 : i32 to index
      %parallel_loop3A_158 = arith.index_cast %parallel_loop3A_122 : i32 to index
      %parallel_loop3A_159 = tpu.vector_load %parallel_loop3A_156[%parallel_loop3A_157, %parallel_loop3A_158] {strides = array<i32>} : memref<8x4096xf32, #tpu.memory_space<vmem>>, vector<1x16xf32>,
      %parallel_loop3A_160 = vector.shape_cast %parallel_loop3A_159 : vector<1x16xf32> to vector<16xf32>
      %parallel_loop3A_161 = arith.addf %parallel_loop3A_151, %parallel_loop3A_160 : vector<16xf32>
      %parallel_loop3A_162 = arith.constant 4 : i32
      %parallel_loop3A_163 = arith.constant 0 : i32
      %parallel_loop3A_164 = arith.constant 0 : i32
      %parallel_loop3A_165 = tpu.memref_slice %arg7[%parallel_loop3A_103, %parallel_loop3A_163, %parallel_loop3A_164] : memref<2x8x4096xf32, #tpu.memory_space<vmem>> -> memref<1x8x4096xf32, #tpu.memory_space<vmem>>
      %parallel_loop3A_166 = tpu.memref_squeeze %parallel_loop3A_165 : memref<1x8x4096xf32, #tpu.memory_space<vmem>> -> memref<8x4096xf32, #tpu.memory_space<vmem>>
      %parallel_loop3A_167 = arith.index_cast %parallel_loop3A_162 : i32 to index
      %parallel_loop3A_168 = arith.index_cast %parallel_loop3A_122 : i32 to index
      %parallel_loop3A_169 = tpu.vector_load %parallel_loop3A_166[%parallel_loop3A_167, %parallel_loop3A_168] {strides = array<i32>} : memref<8x4096xf32, #tpu.memory_space<vmem>>, vector<1x16xf32>,
      %parallel_loop3A_170 = vector.shape_cast %parallel_loop3A_169 : vector<1x16xf32> to vector<16xf32>
      %parallel_loop3A_171 = arith.addf %parallel_loop3A_161, %parallel_loop3A_170 : vector<16xf32>
      %parallel_loop3A_172 = arith.constant 5 : i32
      %parallel_loop3A_173 = arith.constant 0 : i32
      %parallel_loop3A_174 = arith.constant 0 : i32
      %parallel_loop3A_175 = tpu.memref_slice %arg7[%parallel_loop3A_103, %parallel_loop3A_173, %parallel_loop3A_174] : memref<2x8x4096xf32, #tpu.memory_space<vmem>> -> memref<1x8x4096xf32, #tpu.memory_space<vmem>>
      %parallel_loop3A_176 = tpu.memref_squeeze %parallel_loop3A_175 : memref<1x8x4096xf32, #tpu.memory_space<vmem>> -> memref<8x4096xf32, #tpu.memory_space<vmem>>
      %parallel_loop3A_177 = arith.index_cast %parallel_loop3A_172 : i32 to index
      %parallel_loop3A_178 = arith.index_cast %parallel_loop3A_122 : i32 to index
      %parallel_loop3A_179 = tpu.vector_load %parallel_loop3A_176[%parallel_loop3A_177, %parallel_loop3A_178] {strides = array<i32>} : memref<8x4096xf32, #tpu.memory_space<vmem>>, vector<1x16xf32>,
      %parallel_loop3A_180 = vector.shape_cast %parallel_loop3A_179 : vector<1x16xf32> to vector<16xf32>
      %parallel_loop3A_181 = arith.addf %parallel_loop3A_171, %parallel_loop3A_180 : vector<16xf32>
      %parallel_loop3A_182 = arith.constant 6 : i32
      %parallel_loop3A_183 = arith.constant 0 : i32
      %parallel_loop3A_184 = arith.constant 0 : i32
      %parallel_loop3A_185 = tpu.memref_slice %arg7[%parallel_loop3A_103, %parallel_loop3A_183, %parallel_loop3A_184] : memref<2x8x4096xf32, #tpu.memory_space<vmem>> -> memref<1x8x4096xf32, #tpu.memory_space<vmem>>
      %parallel_loop3A_186 = tpu.memref_squeeze %parallel_loop3A_185 : memref<1x8x4096xf32, #tpu.memory_space<vmem>> -> memref<8x4096xf32, #tpu.memory_space<vmem>>
      %parallel_loop3A_187 = arith.index_cast %parallel_loop3A_182 : i32 to index
      %parallel_loop3A_188 = arith.index_cast %parallel_loop3A_122 : i32 to index
      %parallel_loop3A_189 = tpu.vector_load %parallel_loop3A_186[%parallel_loop3A_187, %parallel_loop3A_188] {strides = array<i32>} : memref<8x4096xf32, #tpu.memory_space<vmem>>, vector<1x16xf32>,
      %parallel_loop3A_190 = vector.shape_cast %parallel_loop3A_189 : vector<1x16xf32> to vector<16xf32>
      %parallel_loop3A_191 = arith.addf %parallel_loop3A_181, %parallel_loop3A_190 : vector<16xf32>
      %parallel_loop3A_192 = arith.constant 7 : i32
      %parallel_loop3A_193 = arith.constant 0 : i32
      %parallel_loop3A_194 = arith.constant 0 : i32
      %parallel_loop3A_195 = tpu.memref_slice %arg7[%parallel_loop3A_103, %parallel_loop3A_193, %parallel_loop3A_194] : memref<2x8x4096xf32, #tpu.memory_space<vmem>> -> memref<1x8x4096xf32, #tpu.memory_space<vmem>>
      %parallel_loop3A_196 = tpu.memref_squeeze %parallel_loop3A_195 : memref<1x8x4096xf32, #tpu.memory_space<vmem>> -> memref<8x4096xf32, #tpu.memory_space<vmem>>
      %parallel_loop3A_197 = arith.index_cast %parallel_loop3A_192 : i32 to index
      %parallel_loop3A_198 = arith.index_cast %parallel_loop3A_122 : i32 to index
      %parallel_loop3A_199 = tpu.vector_load %parallel_loop3A_196[%parallel_loop3A_197, %parallel_loop3A_198] {strides = array<i32>} : memref<8x4096xf32, #tpu.memory_space<vmem>>, vector<1x16xf32>,
      %parallel_loop3A_200 = vector.shape_cast %parallel_loop3A_199 : vector<1x16xf32> to vector<16xf32>
      %parallel_loop3A_201 = arith.addf %parallel_loop3A_191, %parallel_loop3A_200 : vector<16xf32>
      %parallel_loop3A_202 = arith.constant 2 : i32
      %parallel_loop3A_203 = arith.index_cast %parallel_loop3A_202 : i32 to index
      %parallel_loop3A_204 = arith.index_cast %parallel_loop3A_122 : i32 to index
      %parallel_loop3A_205 = tpu.vector_load %arg8[%parallel_loop3A_203, %parallel_loop3A_204] {strides = array<i32>} : memref<4x4096xf32, #tpu.memory_space<vmem>>, vector<1x16xf32>,
      %parallel_loop3A_206 = vector.shape_cast %parallel_loop3A_205 : vector<1x16xf32> to vector<16xf32>
      %parallel_loop3A_207 = arith.constant 5.000000e-01 : f32
      %parallel_loop3A_208 = vector.broadcast %parallel_loop3A_207 : f32 to vector<16xf32>
      %parallel_loop3A_209 = arith.mulf %parallel_loop3A_208, %parallel_loop3A_201 : vector<16xf32>
      %parallel_loop3A_210 = arith.addf %parallel_loop3A_206, %parallel_loop3A_209 : vector<16xf32>
      %parallel_loop3A_211 = arith.constant 2 : i32
      %parallel_loop3A_212 = arith.index_cast %parallel_loop3A_211 : i32 to index
      %parallel_loop3A_213 = arith.index_cast %parallel_loop3A_122 : i32 to index
      %parallel_loop3A_214 = tpu.vector_load %arg9[%parallel_loop3A_212, %parallel_loop3A_213] {strides = array<i32>} : memref<4x4096xf32, #tpu.memory_space<vmem>>, vector<1x16xf32>,
      %parallel_loop3A_215 = vector.shape_cast %parallel_loop3A_214 : vector<1x16xf32> to vector<16xf32>
      %parallel_loop3A_216 = vector.shape_cast %parallel_loop3A_210 : vector<16xf32> to vector<1x16xf32>
      tpu.vector_store %arg9[%parallel_loop3A_212, %parallel_loop3A_213], %parallel_loop3A_216 {strides = array<i32>} : memref<4x4096xf32, #tpu.memory_space<vmem>>, vector<1x16xf32>,
    } {sc.loop_unroll_factor = 8 : i64, sc.parallel_access}
    %dma_wait3A_104 = arith.constant 3 : i32
    %dma_wait3A_105 = arith.constant 1 : i32
    %dma_wait3A_106 = arith.constant 0 : i32
    %dma_wait3A_107 = arith.constant 0 : i32
    %dma_wait3A_108 = tpu.memref_slice %arg7[%dma_wait3A_105, %dma_wait3A_106, %dma_wait3A_107] : memref<2x8x4096xf32, #tpu.memory_space<vmem>> -> memref<1x8x4096xf32, #tpu.memory_space<vmem>>
    %dma_wait3A_109 = tpu.memref_squeeze %dma_wait3A_108 : memref<1x8x4096xf32, #tpu.memory_space<vmem>> -> memref<8x4096xf32, #tpu.memory_space<vmem>>
    %dma_wait3A_110 = arith.constant 0 : i32
    %dma_wait3A_111 = tpu.memref_slice %arg6[%dma_wait3A_104, %dma_wait3A_110] : memref<4x8xi32, #tpu.memory_space<vmem>> -> memref<1x8xi32, #tpu.memory_space<vmem>>
    %dma_wait3A_112 = tpu.memref_squeeze %dma_wait3A_111 : memref<1x8xi32, #tpu.memory_space<vmem>> -> memref<8xi32, #tpu.memory_space<vmem>>
    %dma_wait3A_113 = arith.constant 0 : i32
    %dma_wait3A_114 = arith.constant 0 : i32
    %dma_wait3A_115 = tpu.memref_slice %arg2[%dma_wait3A_113, %dma_wait3A_114] : memref<1024x4096xf32, #tpu.memory_space<hbm>> -> memref<1024x4096xf32, #tpu.memory_space<hbm>>
    tpu.wait_indirect_dma semaphore(%arg11 : memref<!tpu.dma_semaphore, #tpu.memory_space<semaphore_mem>>) src(%dma_wait3A_115 : memref<1024x4096xf32, #tpu.memory_space<hbm>>) dst(%dma_wait3A_109 : memref<8x4096xf32, #tpu.memory_space<vmem>>)
    %parallel_loop3A_116 = arith.constant 0 : i32
    %parallel_loop3A_117 = arith.constant 256 : i32
    %parallel_loop3A_118 = arith.constant 1 : i32
    %parallel_loop3A_119 = arith.constant 1 : i32
    scf.for %parallel_loop3A_120 = %parallel_loop3A_116 to %parallel_loop3A_117 step %parallel_loop3A_118  : i32 {
      %parallel_loop3A_121 = arith.constant 16 : i32
      %parallel_loop3A_122 = arith.muli %parallel_loop3A_120, %parallel_loop3A_121 : i32
      %parallel_loop3A_123 = arith.constant 0 : i32
      %parallel_loop3A_124 = arith.constant 0 : i32
      %parallel_loop3A_125 = arith.constant 0 : i32
      %parallel_loop3A_126 = tpu.memref_slice %arg7[%parallel_loop3A_119, %parallel_loop3A_124, %parallel_loop3A_125] : memref<2x8x4096xf32, #tpu.memory_space<vmem>> -> memref<1x8x4096xf32, #tpu.memory_space<vmem>>
      %parallel_loop3A_127 = tpu.memref_squeeze %parallel_loop3A_126 : memref<1x8x4096xf32, #tpu.memory_space<vmem>> -> memref<8x4096xf32, #tpu.memory_space<vmem>>
      %parallel_loop3A_128 = arith.index_cast %parallel_loop3A_123 : i32 to index
      %parallel_loop3A_129 = arith.index_cast %parallel_loop3A_122 : i32 to index
      %parallel_loop3A_130 = tpu.vector_load %parallel_loop3A_127[%parallel_loop3A_128, %parallel_loop3A_129] {strides = array<i32>} : memref<8x4096xf32, #tpu.memory_space<vmem>>, vector<1x16xf32>,
      %parallel_loop3A_131 = vector.shape_cast %parallel_loop3A_130 : vector<1x16xf32> to vector<16xf32>
      %parallel_loop3A_132 = arith.constant 1 : i32
      %parallel_loop3A_133 = arith.constant 0 : i32
      %parallel_loop3A_134 = arith.constant 0 : i32
      %parallel_loop3A_135 = tpu.memref_slice %arg7[%parallel_loop3A_119, %parallel_loop3A_133, %parallel_loop3A_134] : memref<2x8x4096xf32, #tpu.memory_space<vmem>> -> memref<1x8x4096xf32, #tpu.memory_space<vmem>>
      %parallel_loop3A_136 = tpu.memref_squeeze %parallel_loop3A_135 : memref<1x8x4096xf32, #tpu.memory_space<vmem>> -> memref<8x4096xf32, #tpu.memory_space<vmem>>
      %parallel_loop3A_137 = arith.index_cast %parallel_loop3A_132 : i32 to index
      %parallel_loop3A_138 = arith.index_cast %parallel_loop3A_122 : i32 to index
      %parallel_loop3A_139 = tpu.vector_load %parallel_loop3A_136[%parallel_loop3A_137, %parallel_loop3A_138] {strides = array<i32>} : memref<8x4096xf32, #tpu.memory_space<vmem>>, vector<1x16xf32>,
      %parallel_loop3A_140 = vector.shape_cast %parallel_loop3A_139 : vector<1x16xf32> to vector<16xf32>
      %parallel_loop3A_141 = arith.addf %parallel_loop3A_131, %parallel_loop3A_140 : vector<16xf32>
      %parallel_loop3A_142 = arith.constant 2 : i32
      %parallel_loop3A_143 = arith.constant 0 : i32
      %parallel_loop3A_144 = arith.constant 0 : i32
      %parallel_loop3A_145 = tpu.memref_slice %arg7[%parallel_loop3A_119, %parallel_loop3A_143, %parallel_loop3A_144] : memref<2x8x4096xf32, #tpu.memory_space<vmem>> -> memref<1x8x4096xf32, #tpu.memory_space<vmem>>
      %parallel_loop3A_146 = tpu.memref_squeeze %parallel_loop3A_145 : memref<1x8x4096xf32, #tpu.memory_space<vmem>> -> memref<8x4096xf32, #tpu.memory_space<vmem>>
      %parallel_loop3A_147 = arith.index_cast %parallel_loop3A_142 : i32 to index
      %parallel_loop3A_148 = arith.index_cast %parallel_loop3A_122 : i32 to index
      %parallel_loop3A_149 = tpu.vector_load %parallel_loop3A_146[%parallel_loop3A_147, %parallel_loop3A_148] {strides = array<i32>} : memref<8x4096xf32, #tpu.memory_space<vmem>>, vector<1x16xf32>,
      %parallel_loop3A_150 = vector.shape_cast %parallel_loop3A_149 : vector<1x16xf32> to vector<16xf32>
      %parallel_loop3A_151 = arith.addf %parallel_loop3A_141, %parallel_loop3A_150 : vector<16xf32>
      %parallel_loop3A_152 = arith.constant 3 : i32
      %parallel_loop3A_153 = arith.constant 0 : i32
      %parallel_loop3A_154 = arith.constant 0 : i32
      %parallel_loop3A_155 = tpu.memref_slice %arg7[%parallel_loop3A_119, %parallel_loop3A_153, %parallel_loop3A_154] : memref<2x8x4096xf32, #tpu.memory_space<vmem>> -> memref<1x8x4096xf32, #tpu.memory_space<vmem>>
      %parallel_loop3A_156 = tpu.memref_squeeze %parallel_loop3A_155 : memref<1x8x4096xf32, #tpu.memory_space<vmem>> -> memref<8x4096xf32, #tpu.memory_space<vmem>>
      %parallel_loop3A_157 = arith.index_cast %parallel_loop3A_152 : i32 to index
      %parallel_loop3A_158 = arith.index_cast %parallel_loop3A_122 : i32 to index
      %parallel_loop3A_159 = tpu.vector_load %parallel_loop3A_156[%parallel_loop3A_157, %parallel_loop3A_158] {strides = array<i32>} : memref<8x4096xf32, #tpu.memory_space<vmem>>, vector<1x16xf32>,
      %parallel_loop3A_160 = vector.shape_cast %parallel_loop3A_159 : vector<1x16xf32> to vector<16xf32>
      %parallel_loop3A_161 = arith.addf %parallel_loop3A_151, %parallel_loop3A_160 : vector<16xf32>
      %parallel_loop3A_162 = arith.constant 4 : i32
      %parallel_loop3A_163 = arith.constant 0 : i32
      %parallel_loop3A_164 = arith.constant 0 : i32
      %parallel_loop3A_165 = tpu.memref_slice %arg7[%parallel_loop3A_119, %parallel_loop3A_163, %parallel_loop3A_164] : memref<2x8x4096xf32, #tpu.memory_space<vmem>> -> memref<1x8x4096xf32, #tpu.memory_space<vmem>>
      %parallel_loop3A_166 = tpu.memref_squeeze %parallel_loop3A_165 : memref<1x8x4096xf32, #tpu.memory_space<vmem>> -> memref<8x4096xf32, #tpu.memory_space<vmem>>
      %parallel_loop3A_167 = arith.index_cast %parallel_loop3A_162 : i32 to index
      %parallel_loop3A_168 = arith.index_cast %parallel_loop3A_122 : i32 to index
      %parallel_loop3A_169 = tpu.vector_load %parallel_loop3A_166[%parallel_loop3A_167, %parallel_loop3A_168] {strides = array<i32>} : memref<8x4096xf32, #tpu.memory_space<vmem>>, vector<1x16xf32>,
      %parallel_loop3A_170 = vector.shape_cast %parallel_loop3A_169 : vector<1x16xf32> to vector<16xf32>
      %parallel_loop3A_171 = arith.addf %parallel_loop3A_161, %parallel_loop3A_170 : vector<16xf32>
      %parallel_loop3A_172 = arith.constant 5 : i32
      %parallel_loop3A_173 = arith.constant 0 : i32
      %parallel_loop3A_174 = arith.constant 0 : i32
      %parallel_loop3A_175 = tpu.memref_slice %arg7[%parallel_loop3A_119, %parallel_loop3A_173, %parallel_loop3A_174] : memref<2x8x4096xf32, #tpu.memory_space<vmem>> -> memref<1x8x4096xf32, #tpu.memory_space<vmem>>
      %parallel_loop3A_176 = tpu.memref_squeeze %parallel_loop3A_175 : memref<1x8x4096xf32, #tpu.memory_space<vmem>> -> memref<8x4096xf32, #tpu.memory_space<vmem>>
      %parallel_loop3A_177 = arith.index_cast %parallel_loop3A_172 : i32 to index
      %parallel_loop3A_178 = arith.index_cast %parallel_loop3A_122 : i32 to index
      %parallel_loop3A_179 = tpu.vector_load %parallel_loop3A_176[%parallel_loop3A_177, %parallel_loop3A_178] {strides = array<i32>} : memref<8x4096xf32, #tpu.memory_space<vmem>>, vector<1x16xf32>,
      %parallel_loop3A_180 = vector.shape_cast %parallel_loop3A_179 : vector<1x16xf32> to vector<16xf32>
      %parallel_loop3A_181 = arith.addf %parallel_loop3A_171, %parallel_loop3A_180 : vector<16xf32>
      %parallel_loop3A_182 = arith.constant 6 : i32
      %parallel_loop3A_183 = arith.constant 0 : i32
      %parallel_loop3A_184 = arith.constant 0 : i32
      %parallel_loop3A_185 = tpu.memref_slice %arg7[%parallel_loop3A_119, %parallel_loop3A_183, %parallel_loop3A_184] : memref<2x8x4096xf32, #tpu.memory_space<vmem>> -> memref<1x8x4096xf32, #tpu.memory_space<vmem>>
      %parallel_loop3A_186 = tpu.memref_squeeze %parallel_loop3A_185 : memref<1x8x4096xf32, #tpu.memory_space<vmem>> -> memref<8x4096xf32, #tpu.memory_space<vmem>>
      %parallel_loop3A_187 = arith.index_cast %parallel_loop3A_182 : i32 to index
      %parallel_loop3A_188 = arith.index_cast %parallel_loop3A_122 : i32 to index
      %parallel_loop3A_189 = tpu.vector_load %parallel_loop3A_186[%parallel_loop3A_187, %parallel_loop3A_188] {strides = array<i32>} : memref<8x4096xf32, #tpu.memory_space<vmem>>, vector<1x16xf32>,
      %parallel_loop3A_190 = vector.shape_cast %parallel_loop3A_189 : vector<1x16xf32> to vector<16xf32>
      %parallel_loop3A_191 = arith.addf %parallel_loop3A_181, %parallel_loop3A_190 : vector<16xf32>
      %parallel_loop3A_192 = arith.constant 7 : i32
      %parallel_loop3A_193 = arith.constant 0 : i32
      %parallel_loop3A_194 = arith.constant 0 : i32
      %parallel_loop3A_195 = tpu.memref_slice %arg7[%parallel_loop3A_119, %parallel_loop3A_193, %parallel_loop3A_194] : memref<2x8x4096xf32, #tpu.memory_space<vmem>> -> memref<1x8x4096xf32, #tpu.memory_space<vmem>>
      %parallel_loop3A_196 = tpu.memref_squeeze %parallel_loop3A_195 : memref<1x8x4096xf32, #tpu.memory_space<vmem>> -> memref<8x4096xf32, #tpu.memory_space<vmem>>
      %parallel_loop3A_197 = arith.index_cast %parallel_loop3A_192 : i32 to index
      %parallel_loop3A_198 = arith.index_cast %parallel_loop3A_122 : i32 to index
      %parallel_loop3A_199 = tpu.vector_load %parallel_loop3A_196[%parallel_loop3A_197, %parallel_loop3A_198] {strides = array<i32>} : memref<8x4096xf32, #tpu.memory_space<vmem>>, vector<1x16xf32>,
      %parallel_loop3A_200 = vector.shape_cast %parallel_loop3A_199 : vector<1x16xf32> to vector<16xf32>
      %parallel_loop3A_201 = arith.addf %parallel_loop3A_191, %parallel_loop3A_200 : vector<16xf32>
      %parallel_loop3A_202 = arith.constant 3 : i32
      %parallel_loop3A_203 = arith.index_cast %parallel_loop3A_202 : i32 to index
      %parallel_loop3A_204 = arith.index_cast %parallel_loop3A_122 : i32 to index
      %parallel_loop3A_205 = tpu.vector_load %arg8[%parallel_loop3A_203, %parallel_loop3A_204] {strides = array<i32>} : memref<4x4096xf32, #tpu.memory_space<vmem>>, vector<1x16xf32>,
      %parallel_loop3A_206 = vector.shape_cast %parallel_loop3A_205 : vector<1x16xf32> to vector<16xf32>
      %parallel_loop3A_207 = arith.constant 5.000000e-01 : f32
      %parallel_loop3A_208 = vector.broadcast %parallel_loop3A_207 : f32 to vector<16xf32>
      %parallel_loop3A_209 = arith.mulf %parallel_loop3A_208, %parallel_loop3A_201 : vector<16xf32>
      %parallel_loop3A_210 = arith.addf %parallel_loop3A_206, %parallel_loop3A_209 : vector<16xf32>
      %parallel_loop3A_211 = arith.constant 3 : i32
      %parallel_loop3A_212 = arith.index_cast %parallel_loop3A_211 : i32 to index
      %parallel_loop3A_213 = arith.index_cast %parallel_loop3A_122 : i32 to index
      %parallel_loop3A_214 = tpu.vector_load %arg9[%parallel_loop3A_212, %parallel_loop3A_213] {strides = array<i32>} : memref<4x4096xf32, #tpu.memory_space<vmem>>, vector<1x16xf32>,
      %parallel_loop3A_215 = vector.shape_cast %parallel_loop3A_214 : vector<1x16xf32> to vector<16xf32>
      %parallel_loop3A_216 = vector.shape_cast %parallel_loop3A_210 : vector<16xf32> to vector<1x16xf32>
      tpu.vector_store %arg9[%parallel_loop3A_212, %parallel_loop3A_213], %parallel_loop3A_216 {strides = array<i32>} : memref<4x4096xf32, #tpu.memory_space<vmem>>, vector<1x16xf32>,
    } {sc.loop_unroll_factor = 8 : i64, sc.parallel_access}
    "tpu.region"() ({
      %run_scoped3A = tpu.sem_alloc : memref<!tpu.dma_semaphore, #tpu.memory_space<semaphore_mem>>
      %dma_start3A_120 = arith.constant 0 : i32
      %dma_start3A_121 = tpu.memref_slice %arg5[%mul3A_2, %dma_start3A_120] : memref<128x4096xf32, #tpu.memory_space<hbm>> -> memref<4x4096xf32, #tpu.memory_space<hbm>>
      %dma_start3A_122 = arith.constant 0 : i32
      %dma_start3A_123 = tpu.memref_slice %arg5[%mul3A_2, %dma_start3A_122] : memref<128x4096xf32, #tpu.memory_space<hbm>> -> memref<4x4096xf32, #tpu.memory_space<hbm>>
      tpu.enqueue_dma source(%arg9 : memref<4x4096xf32, #tpu.memory_space<vmem>>) target(%dma_start3A_123 : memref<4x4096xf32, #tpu.memory_space<hbm>>) target_semaphore(%run_scoped3A : memref<!tpu.dma_semaphore, #tpu.memory_space<semaphore_mem>>)
      %dma_wait3A_124 = arith.constant 0 : i32
      %dma_wait3A_125 = tpu.memref_slice %arg5[%mul3A_2, %dma_wait3A_124] : memref<128x4096xf32, #tpu.memory_space<hbm>> -> memref<4x4096xf32, #tpu.memory_space<hbm>>
      %dma_wait3A_126 = arith.constant 0 : i32
      %dma_wait3A_127 = tpu.memref_slice %arg5[%mul3A_2, %dma_wait3A_126] : memref<128x4096xf32, #tpu.memory_space<hbm>> -> memref<4x4096xf32, #tpu.memory_space<hbm>>
      tpu.wait_dma2 semaphore(%run_scoped3A : memref<!tpu.dma_semaphore, #tpu.memory_space<semaphore_mem>>) src(%arg9 : memref<4x4096xf32, #tpu.memory_space<vmem>>) dst(%dma_wait3A_127 : memref<4x4096xf32, #tpu.memory_space<hbm>>)
      tpu.yield
    }) : () -> ()
    return
  }
}

module attributes {stable_mosaic.version = 14 : i64} {
  func.func @_score_body(%arg0: i32, %arg1: memref<128x4096xf32, #tpu.memory_space<vmem>>, %arg2: memref<128x4096xf32, #tpu.memory_space<vmem>>, %arg3: memref<128x4096xf32, #tpu.memory_space<vmem>>, %arg4: memref<128x8xi32, #tpu.memory_space<vmem>>, %arg5: memref<1x1xf32, #tpu.memory_space<smem>>, %arg6: memref<1x1xf32, #tpu.memory_space<smem>>, %arg7: memref<128x1024xf32, #tpu.memory_space<vmem>>) attributes {dimension_semantics = [#tpu.dimension_semantics<arbitrary>], iteration_bounds = array<i64: 4>, scalar_prefetch = 0 : i64, scratch_operands = 1 : i64, tpu.core_type = #tpu.core_type<tc>, window_params = [{pipeline_mode = #tpu.pipeline_mode<synchronous>, transform_indices = @transform_0, window_bounds = array<i64: 128, 4096>}, {transform_indices = @transform_1, window_bounds = array<i64: 128, 4096>}, {transform_indices = @transform_2, window_bounds = array<i64: 128, 4096>}, {pipeline_mode = #tpu.pipeline_mode<synchronous>, transform_indices = @transform_3, window_bounds = array<i64: 128, 8>}, {transform_indices = @transform_4, window_bounds = array<i64: 1, 1>}, {transform_indices = @transform_5, window_bounds = array<i64: 1, 1>}]} {
    %get3A = arith.constant 0 : index
    %get3A_0 = arith.constant 0 : index
    %get3A_1 = vector.load %arg1[%get3A, %get3A_0] : memref<128x4096xf32, #tpu.memory_space<vmem>>, vector<128x4096xf32>
    %mul3A = arith.mulf %get3A_1, %get3A_1 : vector<128x4096xf32>
    %reduce_sum3A = arith.constant dense<0.000000e+00> : vector<128xf32>
    %reduce_sum3A_2 = vector.multi_reduction <add>, %mul3A, %reduce_sum3A [1] : vector<128x4096xf32> to vector<128xf32>
    %broadcast_in_dim3A = vector.shape_cast %reduce_sum3A_2 : vector<128xf32> to vector<128x1xf32>
    %sqrt3A = math.sqrt %broadcast_in_dim3A : vector<128x1xf32>
    %get3A_3 = arith.constant 0 : index
    %get3A_4 = arith.constant 0 : index
    %get3A_5 = vector.load %arg2[%get3A_3, %get3A_4] : memref<128x4096xf32, #tpu.memory_space<vmem>>, vector<128x4096xf32>
    %convert_element_type3A = arith.truncf %get3A_5 : vector<128x4096xf32> to vector<128x4096xbf16>
    %convert_element_type3A_6 = arith.extf %convert_element_type3A : vector<128x4096xbf16> to vector<128x4096xf32>
    %sub3A = arith.subf %get3A_5, %convert_element_type3A_6 : vector<128x4096xf32>
    %convert_element_type3A_7 = arith.truncf %sub3A : vector<128x4096xf32> to vector<128x4096xbf16>
    %convert_element_type3A_8 = arith.truncf %get3A_1 : vector<128x4096xf32> to vector<128x4096xbf16>
    %convert_element_type3A_9 = arith.extf %convert_element_type3A_8 : vector<128x4096xbf16> to vector<128x4096xf32>
    %sub3A_10 = arith.subf %get3A_1, %convert_element_type3A_9 : vector<128x4096xf32>
    %convert_element_type3A_11 = arith.truncf %sub3A_10 : vector<128x4096xf32> to vector<128x4096xbf16>
    %dot_general3A = arith.constant dense<0.000000e+00> : vector<128x128xf32>
    %dot_general3A_12 = tpu.matmul %convert_element_type3A_8, %convert_element_type3A, %dot_general3A {dimension_numbers = #tpu.dot_dimension_numbers<[1], [1], [0], [0], [0, 0, 1, 0], [], []>, transpose_lhs_hint = false} : vector<128x4096xbf16>, vector<128x4096xbf16>, vector<128x128xf32> -> vector<128x128xf32>
    %dot_general3A_13 = arith.constant dense<0.000000e+00> : vector<128x128xf32>
    %dot_general3A_14 = tpu.matmul %convert_element_type3A_8, %convert_element_type3A_7, %dot_general3A_13 {dimension_numbers = #tpu.dot_dimension_numbers<[1], [1], [0], [0], [0, 0, 1, 0], [], []>, transpose_lhs_hint = false} : vector<128x4096xbf16>, vector<128x4096xbf16>, vector<128x128xf32> -> vector<128x128xf32>
    %dot_general3A_15 = arith.constant dense<0.000000e+00> : vector<128x128xf32>
    %dot_general3A_16 = tpu.matmul %convert_element_type3A_11, %convert_element_type3A, %dot_general3A_15 {dimension_numbers = #tpu.dot_dimension_numbers<[1], [1], [0], [0], [0, 0, 1, 0], [], []>, transpose_lhs_hint = false} : vector<128x4096xbf16>, vector<128x4096xbf16>, vector<128x128xf32> -> vector<128x128xf32>
    %add3A = arith.addf %dot_general3A_14, %dot_general3A_16 : vector<128x128xf32>
    %add3A_17 = arith.addf %dot_general3A_12, %add3A : vector<128x128xf32>
    %mul3A_18 = arith.mulf %get3A_5, %get3A_5 : vector<128x4096xf32>
    %reduce_sum3A_19 = arith.constant dense<0.000000e+00> : vector<128xf32>
    %reduce_sum3A_20 = vector.multi_reduction <add>, %mul3A_18, %reduce_sum3A_19 [1] : vector<128x4096xf32> to vector<128xf32>
    %broadcast_in_dim3A_21 = vector.shape_cast %reduce_sum3A_20 : vector<128xf32> to vector<128x1xf32>
    %sqrt3A_22 = math.sqrt %broadcast_in_dim3A_21 : vector<128x1xf32>
    %transpose3A = tpu.transpose %sqrt3A_22, [1, 0] : vector<128x1xf32> -> vector<1x128xf32>
    %max3A = arith.constant 9.99999993E-9 : f32
    %max3A_23 = vector.broadcast %max3A : f32 to vector<128x1xf32>
    %max3A_24 = arith.maximumf %sqrt3A, %max3A_23 : vector<128x1xf32>
    %max3A_25 = arith.constant 9.99999993E-9 : f32
    %max3A_26 = vector.broadcast %max3A_25 : f32 to vector<1x128xf32>
    %max3A_27 = arith.maximumf %transpose3A, %max3A_26 : vector<1x128xf32>
    %mul3A_28 = vector.broadcast %max3A_24 : vector<128x1xf32> to vector<128x128xf32>
    %mul3A_29 = vector.broadcast %max3A_27 : vector<1x128xf32> to vector<128x128xf32>
    %mul3A_30 = arith.mulf %mul3A_28, %mul3A_29 : vector<128x128xf32>
    %mul3A_31 = arith.constant 2 : i32
    %mul3A_32 = arith.muli %mul3A_31, %arg0 : i32
    %add3A_33 = arith.constant 0 : i32
    %add3A_34 = arith.addi %mul3A_32, %add3A_33 : i32
    %mul3A_35 = arith.constant 128 : i32
    %mul3A_36 = arith.muli %add3A_34, %mul3A_35 : i32
    %div3A = arith.divf %add3A_17, %mul3A_30 : vector<128x128xf32>
    %sub3A_37 = arith.constant 1.000000e+00 : f32
    %sub3A_38 = vector.broadcast %sub3A_37 : f32 to vector<128x128xf32>
    %sub3A_39 = arith.subf %sub3A_38, %div3A : vector<128x128xf32>
    %swap3A = arith.constant 0 : index
    %swap3A_40 = arith.index_cast %mul3A_36 : i32 to index
    %swap3A_41 = vector.load %arg7[%swap3A, %swap3A_40] : memref<128x1024xf32, #tpu.memory_space<vmem>>, vector<128x128xf32>
    tpu.vector_store %arg7[%swap3A, %swap3A_40], %sub3A_39 {strides = array<i32>} : memref<128x1024xf32, #tpu.memory_space<vmem>>, vector<128x128xf32>,
    %get3A_42 = arith.constant 0 : index
    %get3A_43 = arith.constant 0 : index
    %get3A_44 = vector.load %arg3[%get3A_42, %get3A_43] : memref<128x4096xf32, #tpu.memory_space<vmem>>, vector<128x4096xf32>
    %convert_element_type3A_45 = arith.truncf %get3A_44 : vector<128x4096xf32> to vector<128x4096xbf16>
    %convert_element_type3A_46 = arith.extf %convert_element_type3A_45 : vector<128x4096xbf16> to vector<128x4096xf32>
    %sub3A_47 = arith.subf %get3A_44, %convert_element_type3A_46 : vector<128x4096xf32>
    %convert_element_type3A_48 = arith.truncf %sub3A_47 : vector<128x4096xf32> to vector<128x4096xbf16>
    %convert_element_type3A_49 = arith.truncf %get3A_1 : vector<128x4096xf32> to vector<128x4096xbf16>
    %convert_element_type3A_50 = arith.extf %convert_element_type3A_49 : vector<128x4096xbf16> to vector<128x4096xf32>
    %sub3A_51 = arith.subf %get3A_1, %convert_element_type3A_50 : vector<128x4096xf32>
    %convert_element_type3A_52 = arith.truncf %sub3A_51 : vector<128x4096xf32> to vector<128x4096xbf16>
    %dot_general3A_53 = arith.constant dense<0.000000e+00> : vector<128x128xf32>
    %dot_general3A_54 = tpu.matmul %convert_element_type3A_49, %convert_element_type3A_45, %dot_general3A_53 {dimension_numbers = #tpu.dot_dimension_numbers<[1], [1], [0], [0], [0, 0, 1, 0], [], []>, transpose_lhs_hint = false} : vector<128x4096xbf16>, vector<128x4096xbf16>, vector<128x128xf32> -> vector<128x128xf32>
    %dot_general3A_55 = arith.constant dense<0.000000e+00> : vector<128x128xf32>
    %dot_general3A_56 = tpu.matmul %convert_element_type3A_49, %convert_element_type3A_48, %dot_general3A_55 {dimension_numbers = #tpu.dot_dimension_numbers<[1], [1], [0], [0], [0, 0, 1, 0], [], []>, transpose_lhs_hint = false} : vector<128x4096xbf16>, vector<128x4096xbf16>, vector<128x128xf32> -> vector<128x128xf32>
    %dot_general3A_57 = arith.constant dense<0.000000e+00> : vector<128x128xf32>
    %dot_general3A_58 = tpu.matmul %convert_element_type3A_52, %convert_element_type3A_45, %dot_general3A_57 {dimension_numbers = #tpu.dot_dimension_numbers<[1], [1], [0], [0], [0, 0, 1, 0], [], []>, transpose_lhs_hint = false} : vector<128x4096xbf16>, vector<128x4096xbf16>, vector<128x128xf32> -> vector<128x128xf32>
    %add3A_59 = arith.addf %dot_general3A_56, %dot_general3A_58 : vector<128x128xf32>
    %add3A_60 = arith.addf %dot_general3A_54, %add3A_59 : vector<128x128xf32>
    %mul3A_61 = arith.mulf %get3A_44, %get3A_44 : vector<128x4096xf32>
    %reduce_sum3A_62 = arith.constant dense<0.000000e+00> : vector<128xf32>
    %reduce_sum3A_63 = vector.multi_reduction <add>, %mul3A_61, %reduce_sum3A_62 [1] : vector<128x4096xf32> to vector<128xf32>
    %broadcast_in_dim3A_64 = vector.shape_cast %reduce_sum3A_63 : vector<128xf32> to vector<128x1xf32>
    %sqrt3A_65 = math.sqrt %broadcast_in_dim3A_64 : vector<128x1xf32>
    %transpose3A_66 = tpu.transpose %sqrt3A_65, [1, 0] : vector<128x1xf32> -> vector<1x128xf32>
    %max3A_67 = arith.constant 9.99999993E-9 : f32
    %max3A_68 = vector.broadcast %max3A_67 : f32 to vector<128x1xf32>
    %max3A_69 = arith.maximumf %sqrt3A, %max3A_68 : vector<128x1xf32>
    %max3A_70 = arith.constant 9.99999993E-9 : f32
    %max3A_71 = vector.broadcast %max3A_70 : f32 to vector<1x128xf32>
    %max3A_72 = arith.maximumf %transpose3A_66, %max3A_71 : vector<1x128xf32>
    %mul3A_73 = vector.broadcast %max3A_69 : vector<128x1xf32> to vector<128x128xf32>
    %mul3A_74 = vector.broadcast %max3A_72 : vector<1x128xf32> to vector<128x128xf32>
    %mul3A_75 = arith.mulf %mul3A_73, %mul3A_74 : vector<128x128xf32>
    %mul3A_76 = arith.constant 2 : i32
    %mul3A_77 = arith.muli %mul3A_76, %arg0 : i32
    %add3A_78 = arith.constant 1 : i32
    %add3A_79 = arith.addi %mul3A_77, %add3A_78 : i32
    %mul3A_80 = arith.constant 128 : i32
    %mul3A_81 = arith.muli %add3A_79, %mul3A_80 : i32
    %div3A_82 = arith.divf %add3A_60, %mul3A_75 : vector<128x128xf32>
    %sub3A_83 = arith.constant 1.000000e+00 : f32
    %sub3A_84 = vector.broadcast %sub3A_83 : f32 to vector<128x128xf32>
    %sub3A_85 = arith.subf %sub3A_84, %div3A_82 : vector<128x128xf32>
    %swap3A_86 = arith.constant 0 : index
    %swap3A_87 = arith.index_cast %mul3A_81 : i32 to index
    %swap3A_88 = vector.load %arg7[%swap3A_86, %swap3A_87] : memref<128x1024xf32, #tpu.memory_space<vmem>>, vector<128x128xf32>
    tpu.vector_store %arg7[%swap3A_86, %swap3A_87], %sub3A_85 {strides = array<i32>} : memref<128x1024xf32, #tpu.memory_space<vmem>>, vector<128x128xf32>,
    %eq3A = arith.constant 3 : i32
    %eq3A_89 = arith.cmpi eq, %arg0, %eq3A : i32
    %convert_element_type3A_90 = arith.extui %eq3A_89 : i1 to i32
    %cond3A = arith.constant 0 : i32
    %cond3A_91 = arith.cmpi ne, %convert_element_type3A_90, %cond3A : i32
    scf.if %cond3A_91 {
      %get3A_92 = arith.constant 0 : index
      %get3A_93 = arith.constant 0 : index
      %get3A_94 = vector.load %arg7[%get3A_92, %get3A_93] : memref<128x1024xf32, #tpu.memory_space<vmem>>, vector<128x1024xf32>
      %iota3A = tpu.iota {dimensions = array<i32: 1>} : vector<128x1024xi32>
      %reduce_max3A = arith.constant dense<0xFF800000> : vector<128xf32>
      %reduce_max3A_95 = vector.multi_reduction <maximumf>, %get3A_94, %reduce_max3A [1] : vector<128x1024xf32> to vector<128xf32>
      %broadcast_in_dim3A_96 = vector.shape_cast %reduce_max3A_95 : vector<128xf32> to vector<128x1xf32>
      %sub3A_97 = vector.broadcast %broadcast_in_dim3A_96 : vector<128x1xf32> to vector<128x1024xf32>
      %sub3A_98 = arith.subf %get3A_94, %sub3A_97 : vector<128x1024xf32>
      %exp3A = math.exp %sub3A_98 : vector<128x1024xf32>
      %reduce_sum3A_99 = arith.constant dense<0.000000e+00> : vector<128xf32>
      %reduce_sum3A_100 = vector.multi_reduction <add>, %exp3A, %reduce_sum3A_99 [1] : vector<128x1024xf32> to vector<128xf32>
      %broadcast_in_dim3A_101 = vector.shape_cast %reduce_sum3A_100 : vector<128xf32> to vector<128x1xf32>
      %sub3A_102 = vector.broadcast %broadcast_in_dim3A_96 : vector<128x1xf32> to vector<128x1024xf32>
      %sub3A_103 = arith.subf %get3A_94, %sub3A_102 : vector<128x1024xf32>
      %log3A = math.log %broadcast_in_dim3A_101 : vector<128x1xf32>
      %sub3A_104 = vector.broadcast %log3A : vector<128x1xf32> to vector<128x1024xf32>
      %sub3A_105 = arith.subf %sub3A_103, %sub3A_104 : vector<128x1024xf32>
      %div3A_106 = vector.broadcast %broadcast_in_dim3A_101 : vector<128x1xf32> to vector<128x1024xf32>
      %div3A_107 = arith.divf %exp3A, %div3A_106 : vector<128x1024xf32>
      %mul3A_108 = arith.mulf %div3A_107, %sub3A_105 : vector<128x1024xf32>
      %reduce_sum3A_109 = vector.shape_cast %mul3A_108 : vector<128x1024xf32> to vector<1x128x1024xf32>
      %reduce_sum3A_110 = arith.constant dense<0.000000e+00> : vector<1xf32>
      %reduce_sum3A_111 = vector.multi_reduction <add>, %reduce_sum3A_109, %reduce_sum3A_110 [1, 2] : vector<1x128x1024xf32> to vector<1xf32>
      %reduce_sum3A_112 = vector.shape_cast %reduce_sum3A_111 : vector<1xf32> to vector<1x1x1xf32>
      %reduce_sum3A_113 = vector.extract %reduce_sum3A_112[0, 0, 0] : f32 from vector<1x1x1xf32>
      %neg3A = arith.constant 0.000000e+00 : f32
      %neg3A_114 = arith.subf %neg3A, %reduce_sum3A_113 : f32
      %swap3A_115 = arith.constant 0 : index
      %swap3A_116 = arith.constant 0 : index
      %swap3A_117 = memref.load %arg6[%swap3A_115, %swap3A_116] : memref<1x1xf32, #tpu.memory_space<smem>>
      memref.store %neg3A_114, %arg6[%swap3A_115, %swap3A_116] : memref<1x1xf32, #tpu.memory_space<smem>>
      %reduce_min3A = arith.constant dense<0x7F800000> : vector<128xf32>
      %reduce_min3A_118 = vector.multi_reduction <minimumf>, %get3A_94, %reduce_min3A [1] : vector<128x1024xf32> to vector<128xf32>
      %broadcast_in_dim3A_119 = vector.shape_cast %reduce_min3A_118 : vector<128xf32> to vector<128x1xf32>
      %eq3A_120 = vector.broadcast %broadcast_in_dim3A_119 : vector<128x1xf32> to vector<128x1024xf32>
      %eq3A_121 = arith.cmpf oeq, %get3A_94, %eq3A_120 : vector<128x1024xf32>
      %jit3A = arith.constant 1024 : i32
      %broadcast_in_dim3A_122 = vector.broadcast %jit3A : i32 to vector<128x1024xi32>
      %select_n3A = arith.select %eq3A_121, %iota3A, %broadcast_in_dim3A_122 : vector<128x1024xi1>, vector<128x1024xi32>
      %reduce_min3A_123 = arith.constant dense<2147483647> : vector<128xi32>
      %reduce_min3A_124 = vector.multi_reduction <minsi>, %select_n3A, %reduce_min3A_123 [1] : vector<128x1024xi32> to vector<128xi32>
      %broadcast_in_dim3A_125 = vector.shape_cast %reduce_min3A_124 : vector<128xi32> to vector<128x1xi32>
      %reduce_sum3A_126 = vector.shape_cast %broadcast_in_dim3A_119 : vector<128x1xf32> to vector<1x128x1xf32>
      %reduce_sum3A_127 = arith.constant dense<0.000000e+00> : vector<1xf32>
      %reduce_sum3A_128 = vector.multi_reduction <add>, %reduce_sum3A_126, %reduce_sum3A_127 [1, 2] : vector<1x128x1xf32> to vector<1xf32>
      %reduce_sum3A_129 = vector.shape_cast %reduce_sum3A_128 : vector<1xf32> to vector<1x1x1xf32>
      %reduce_sum3A_130 = vector.extract %reduce_sum3A_129[0, 0, 0] : f32 from vector<1x1x1xf32>
      %add3A_131 = arith.constant 0.000000e+00 : f32
      %add3A_132 = arith.addf %add3A_131, %reduce_sum3A_130 : f32
      %eq3A_133 = vector.broadcast %broadcast_in_dim3A_125 : vector<128x1xi32> to vector<128x1024xi32>
      %eq3A_134 = arith.cmpi eq, %iota3A, %eq3A_133 : vector<128x1024xi32>
      %jit3A_135 = arith.constant 0x7F800000 : f32
      %broadcast_in_dim3A_136 = vector.broadcast %jit3A_135 : f32 to vector<128x1024xf32>
      %select_n3A_137 = arith.select %eq3A_134, %broadcast_in_dim3A_136, %get3A_94 : vector<128x1024xi1>, vector<128x1024xf32>
      %reduce_min3A_138 = arith.constant dense<0x7F800000> : vector<128xf32>
      %reduce_min3A_139 = vector.multi_reduction <minimumf>, %select_n3A_137, %reduce_min3A_138 [1] : vector<128x1024xf32> to vector<128xf32>
      %broadcast_in_dim3A_140 = vector.shape_cast %reduce_min3A_139 : vector<128xf32> to vector<128x1xf32>
      %eq3A_141 = vector.broadcast %broadcast_in_dim3A_140 : vector<128x1xf32> to vector<128x1024xf32>
      %eq3A_142 = arith.cmpf oeq, %select_n3A_137, %eq3A_141 : vector<128x1024xf32>
      %jit3A_143 = arith.constant 1024 : i32
      %broadcast_in_dim3A_144 = vector.broadcast %jit3A_143 : i32 to vector<128x1024xi32>
      %select_n3A_145 = arith.select %eq3A_142, %iota3A, %broadcast_in_dim3A_144 : vector<128x1024xi1>, vector<128x1024xi32>
      %reduce_min3A_146 = arith.constant dense<2147483647> : vector<128xi32>
      %reduce_min3A_147 = vector.multi_reduction <minsi>, %select_n3A_145, %reduce_min3A_146 [1] : vector<128x1024xi32> to vector<128xi32>
      %broadcast_in_dim3A_148 = vector.shape_cast %reduce_min3A_147 : vector<128xi32> to vector<128x1xi32>
      %reduce_sum3A_149 = vector.shape_cast %broadcast_in_dim3A_140 : vector<128x1xf32> to vector<1x128x1xf32>
      %reduce_sum3A_150 = arith.constant dense<0.000000e+00> : vector<1xf32>
      %reduce_sum3A_151 = vector.multi_reduction <add>, %reduce_sum3A_149, %reduce_sum3A_150 [1, 2] : vector<1x128x1xf32> to vector<1xf32>
      %reduce_sum3A_152 = vector.shape_cast %reduce_sum3A_151 : vector<1xf32> to vector<1x1x1xf32>
      %reduce_sum3A_153 = vector.extract %reduce_sum3A_152[0, 0, 0] : f32 from vector<1x1x1xf32>
      %add3A_154 = arith.addf %add3A_132, %reduce_sum3A_153 : f32
      %eq3A_155 = vector.broadcast %broadcast_in_dim3A_148 : vector<128x1xi32> to vector<128x1024xi32>
      %eq3A_156 = arith.cmpi eq, %iota3A, %eq3A_155 : vector<128x1024xi32>
      %jit3A_157 = arith.constant 0x7F800000 : f32
      %broadcast_in_dim3A_158 = vector.broadcast %jit3A_157 : f32 to vector<128x1024xf32>
      %select_n3A_159 = arith.select %eq3A_156, %broadcast_in_dim3A_158, %select_n3A_137 : vector<128x1024xi1>, vector<128x1024xf32>
      %reduce_min3A_160 = arith.constant dense<0x7F800000> : vector<128xf32>
      %reduce_min3A_161 = vector.multi_reduction <minimumf>, %select_n3A_159, %reduce_min3A_160 [1] : vector<128x1024xf32> to vector<128xf32>
      %broadcast_in_dim3A_162 = vector.shape_cast %reduce_min3A_161 : vector<128xf32> to vector<128x1xf32>
      %eq3A_163 = vector.broadcast %broadcast_in_dim3A_162 : vector<128x1xf32> to vector<128x1024xf32>
      %eq3A_164 = arith.cmpf oeq, %select_n3A_159, %eq3A_163 : vector<128x1024xf32>
      %jit3A_165 = arith.constant 1024 : i32
      %broadcast_in_dim3A_166 = vector.broadcast %jit3A_165 : i32 to vector<128x1024xi32>
      %select_n3A_167 = arith.select %eq3A_164, %iota3A, %broadcast_in_dim3A_166 : vector<128x1024xi1>, vector<128x1024xi32>
      %reduce_min3A_168 = arith.constant dense<2147483647> : vector<128xi32>
      %reduce_min3A_169 = vector.multi_reduction <minsi>, %select_n3A_167, %reduce_min3A_168 [1] : vector<128x1024xi32> to vector<128xi32>
      %broadcast_in_dim3A_170 = vector.shape_cast %reduce_min3A_169 : vector<128xi32> to vector<128x1xi32>
      %reduce_sum3A_171 = vector.shape_cast %broadcast_in_dim3A_162 : vector<128x1xf32> to vector<1x128x1xf32>
      %reduce_sum3A_172 = arith.constant dense<0.000000e+00> : vector<1xf32>
      %reduce_sum3A_173 = vector.multi_reduction <add>, %reduce_sum3A_171, %reduce_sum3A_172 [1, 2] : vector<1x128x1xf32> to vector<1xf32>
      %reduce_sum3A_174 = vector.shape_cast %reduce_sum3A_173 : vector<1xf32> to vector<1x1x1xf32>
      %reduce_sum3A_175 = vector.extract %reduce_sum3A_174[0, 0, 0] : f32 from vector<1x1x1xf32>
      %add3A_176 = arith.addf %add3A_154, %reduce_sum3A_175 : f32
      %eq3A_177 = vector.broadcast %broadcast_in_dim3A_170 : vector<128x1xi32> to vector<128x1024xi32>
      %eq3A_178 = arith.cmpi eq, %iota3A, %eq3A_177 : vector<128x1024xi32>
      %jit3A_179 = arith.constant 0x7F800000 : f32
      %broadcast_in_dim3A_180 = vector.broadcast %jit3A_179 : f32 to vector<128x1024xf32>
      %select_n3A_181 = arith.select %eq3A_178, %broadcast_in_dim3A_180, %select_n3A_159 : vector<128x1024xi1>, vector<128x1024xf32>
      %reduce_min3A_182 = arith.constant dense<0x7F800000> : vector<128xf32>
      %reduce_min3A_183 = vector.multi_reduction <minimumf>, %select_n3A_181, %reduce_min3A_182 [1] : vector<128x1024xf32> to vector<128xf32>
      %broadcast_in_dim3A_184 = vector.shape_cast %reduce_min3A_183 : vector<128xf32> to vector<128x1xf32>
      %eq3A_185 = vector.broadcast %broadcast_in_dim3A_184 : vector<128x1xf32> to vector<128x1024xf32>
      %eq3A_186 = arith.cmpf oeq, %select_n3A_181, %eq3A_185 : vector<128x1024xf32>
      %jit3A_187 = arith.constant 1024 : i32
      %broadcast_in_dim3A_188 = vector.broadcast %jit3A_187 : i32 to vector<128x1024xi32>
      %select_n3A_189 = arith.select %eq3A_186, %iota3A, %broadcast_in_dim3A_188 : vector<128x1024xi1>, vector<128x1024xi32>
      %reduce_min3A_190 = arith.constant dense<2147483647> : vector<128xi32>
      %reduce_min3A_191 = vector.multi_reduction <minsi>, %select_n3A_189, %reduce_min3A_190 [1] : vector<128x1024xi32> to vector<128xi32>
      %broadcast_in_dim3A_192 = vector.shape_cast %reduce_min3A_191 : vector<128xi32> to vector<128x1xi32>
      %reduce_sum3A_193 = vector.shape_cast %broadcast_in_dim3A_184 : vector<128x1xf32> to vector<1x128x1xf32>
      %reduce_sum3A_194 = arith.constant dense<0.000000e+00> : vector<1xf32>
      %reduce_sum3A_195 = vector.multi_reduction <add>, %reduce_sum3A_193, %reduce_sum3A_194 [1, 2] : vector<1x128x1xf32> to vector<1xf32>
      %reduce_sum3A_196 = vector.shape_cast %reduce_sum3A_195 : vector<1xf32> to vector<1x1x1xf32>
      %reduce_sum3A_197 = vector.extract %reduce_sum3A_196[0, 0, 0] : f32 from vector<1x1x1xf32>
      %add3A_198 = arith.addf %add3A_176, %reduce_sum3A_197 : f32
      %eq3A_199 = vector.broadcast %broadcast_in_dim3A_192 : vector<128x1xi32> to vector<128x1024xi32>
      %eq3A_200 = arith.cmpi eq, %iota3A, %eq3A_199 : vector<128x1024xi32>
      %jit3A_201 = arith.constant 0x7F800000 : f32
      %broadcast_in_dim3A_202 = vector.broadcast %jit3A_201 : f32 to vector<128x1024xf32>
      %select_n3A_203 = arith.select %eq3A_200, %broadcast_in_dim3A_202, %select_n3A_181 : vector<128x1024xi1>, vector<128x1024xf32>
      %reduce_min3A_204 = arith.constant dense<0x7F800000> : vector<128xf32>
      %reduce_min3A_205 = vector.multi_reduction <minimumf>, %select_n3A_203, %reduce_min3A_204 [1] : vector<128x1024xf32> to vector<128xf32>
      %broadcast_in_dim3A_206 = vector.shape_cast %reduce_min3A_205 : vector<128xf32> to vector<128x1xf32>
      %eq3A_207 = vector.broadcast %broadcast_in_dim3A_206 : vector<128x1xf32> to vector<128x1024xf32>
      %eq3A_208 = arith.cmpf oeq, %select_n3A_203, %eq3A_207 : vector<128x1024xf32>
      %jit3A_209 = arith.constant 1024 : i32
      %broadcast_in_dim3A_210 = vector.broadcast %jit3A_209 : i32 to vector<128x1024xi32>
      %select_n3A_211 = arith.select %eq3A_208, %iota3A, %broadcast_in_dim3A_210 : vector<128x1024xi1>, vector<128x1024xi32>
      %reduce_min3A_212 = arith.constant dense<2147483647> : vector<128xi32>
      %reduce_min3A_213 = vector.multi_reduction <minsi>, %select_n3A_211, %reduce_min3A_212 [1] : vector<128x1024xi32> to vector<128xi32>
      %broadcast_in_dim3A_214 = vector.shape_cast %reduce_min3A_213 : vector<128xi32> to vector<128x1xi32>
      %reduce_sum3A_215 = vector.shape_cast %broadcast_in_dim3A_206 : vector<128x1xf32> to vector<1x128x1xf32>
      %reduce_sum3A_216 = arith.constant dense<0.000000e+00> : vector<1xf32>
      %reduce_sum3A_217 = vector.multi_reduction <add>, %reduce_sum3A_215, %reduce_sum3A_216 [1, 2] : vector<1x128x1xf32> to vector<1xf32>
      %reduce_sum3A_218 = vector.shape_cast %reduce_sum3A_217 : vector<1xf32> to vector<1x1x1xf32>
      %reduce_sum3A_219 = vector.extract %reduce_sum3A_218[0, 0, 0] : f32 from vector<1x1x1xf32>
      %add3A_220 = arith.addf %add3A_198, %reduce_sum3A_219 : f32
      %eq3A_221 = vector.broadcast %broadcast_in_dim3A_214 : vector<128x1xi32> to vector<128x1024xi32>
      %eq3A_222 = arith.cmpi eq, %iota3A, %eq3A_221 : vector<128x1024xi32>
      %jit3A_223 = arith.constant 0x7F800000 : f32
      %broadcast_in_dim3A_224 = vector.broadcast %jit3A_223 : f32 to vector<128x1024xf32>
      %select_n3A_225 = arith.select %eq3A_222, %broadcast_in_dim3A_224, %select_n3A_203 : vector<128x1024xi1>, vector<128x1024xf32>
      %reduce_min3A_226 = arith.constant dense<0x7F800000> : vector<128xf32>
      %reduce_min3A_227 = vector.multi_reduction <minimumf>, %select_n3A_225, %reduce_min3A_226 [1] : vector<128x1024xf32> to vector<128xf32>
      %broadcast_in_dim3A_228 = vector.shape_cast %reduce_min3A_227 : vector<128xf32> to vector<128x1xf32>
      %eq3A_229 = vector.broadcast %broadcast_in_dim3A_228 : vector<128x1xf32> to vector<128x1024xf32>
      %eq3A_230 = arith.cmpf oeq, %select_n3A_225, %eq3A_229 : vector<128x1024xf32>
      %jit3A_231 = arith.constant 1024 : i32
      %broadcast_in_dim3A_232 = vector.broadcast %jit3A_231 : i32 to vector<128x1024xi32>
      %select_n3A_233 = arith.select %eq3A_230, %iota3A, %broadcast_in_dim3A_232 : vector<128x1024xi1>, vector<128x1024xi32>
      %reduce_min3A_234 = arith.constant dense<2147483647> : vector<128xi32>
      %reduce_min3A_235 = vector.multi_reduction <minsi>, %select_n3A_233, %reduce_min3A_234 [1] : vector<128x1024xi32> to vector<128xi32>
      %broadcast_in_dim3A_236 = vector.shape_cast %reduce_min3A_235 : vector<128xi32> to vector<128x1xi32>
      %reduce_sum3A_237 = vector.shape_cast %broadcast_in_dim3A_228 : vector<128x1xf32> to vector<1x128x1xf32>
      %reduce_sum3A_238 = arith.constant dense<0.000000e+00> : vector<1xf32>
      %reduce_sum3A_239 = vector.multi_reduction <add>, %reduce_sum3A_237, %reduce_sum3A_238 [1, 2] : vector<1x128x1xf32> to vector<1xf32>
      %reduce_sum3A_240 = vector.shape_cast %reduce_sum3A_239 : vector<1xf32> to vector<1x1x1xf32>
      %reduce_sum3A_241 = vector.extract %reduce_sum3A_240[0, 0, 0] : f32 from vector<1x1x1xf32>
      %add3A_242 = arith.addf %add3A_220, %reduce_sum3A_241 : f32
      %eq3A_243 = vector.broadcast %broadcast_in_dim3A_236 : vector<128x1xi32> to vector<128x1024xi32>
      %eq3A_244 = arith.cmpi eq, %iota3A, %eq3A_243 : vector<128x1024xi32>
      %jit3A_245 = arith.constant 0x7F800000 : f32
      %broadcast_in_dim3A_246 = vector.broadcast %jit3A_245 : f32 to vector<128x1024xf32>
      %select_n3A_247 = arith.select %eq3A_244, %broadcast_in_dim3A_246, %select_n3A_225 : vector<128x1024xi1>, vector<128x1024xf32>
      %reduce_min3A_248 = arith.constant dense<0x7F800000> : vector<128xf32>
      %reduce_min3A_249 = vector.multi_reduction <minimumf>, %select_n3A_247, %reduce_min3A_248 [1] : vector<128x1024xf32> to vector<128xf32>
      %broadcast_in_dim3A_250 = vector.shape_cast %reduce_min3A_249 : vector<128xf32> to vector<128x1xf32>
      %eq3A_251 = vector.broadcast %broadcast_in_dim3A_250 : vector<128x1xf32> to vector<128x1024xf32>
      %eq3A_252 = arith.cmpf oeq, %select_n3A_247, %eq3A_251 : vector<128x1024xf32>
      %jit3A_253 = arith.constant 1024 : i32
      %broadcast_in_dim3A_254 = vector.broadcast %jit3A_253 : i32 to vector<128x1024xi32>
      %select_n3A_255 = arith.select %eq3A_252, %iota3A, %broadcast_in_dim3A_254 : vector<128x1024xi1>, vector<128x1024xi32>
      %reduce_min3A_256 = arith.constant dense<2147483647> : vector<128xi32>
      %reduce_min3A_257 = vector.multi_reduction <minsi>, %select_n3A_255, %reduce_min3A_256 [1] : vector<128x1024xi32> to vector<128xi32>
      %broadcast_in_dim3A_258 = vector.shape_cast %reduce_min3A_257 : vector<128xi32> to vector<128x1xi32>
      %reduce_sum3A_259 = vector.shape_cast %broadcast_in_dim3A_250 : vector<128x1xf32> to vector<1x128x1xf32>
      %reduce_sum3A_260 = arith.constant dense<0.000000e+00> : vector<1xf32>
      %reduce_sum3A_261 = vector.multi_reduction <add>, %reduce_sum3A_259, %reduce_sum3A_260 [1, 2] : vector<1x128x1xf32> to vector<1xf32>
      %reduce_sum3A_262 = vector.shape_cast %reduce_sum3A_261 : vector<1xf32> to vector<1x1x1xf32>
      %reduce_sum3A_263 = vector.extract %reduce_sum3A_262[0, 0, 0] : f32 from vector<1x1x1xf32>
      %add3A_264 = arith.addf %add3A_242, %reduce_sum3A_263 : f32
      %eq3A_265 = vector.broadcast %broadcast_in_dim3A_258 : vector<128x1xi32> to vector<128x1024xi32>
      %eq3A_266 = arith.cmpi eq, %iota3A, %eq3A_265 : vector<128x1024xi32>
      %jit3A_267 = arith.constant 0x7F800000 : f32
      %broadcast_in_dim3A_268 = vector.broadcast %jit3A_267 : f32 to vector<128x1024xf32>
      %select_n3A_269 = arith.select %eq3A_266, %broadcast_in_dim3A_268, %select_n3A_247 : vector<128x1024xi1>, vector<128x1024xf32>
      %reduce_min3A_270 = arith.constant dense<0x7F800000> : vector<128xf32>
      %reduce_min3A_271 = vector.multi_reduction <minimumf>, %select_n3A_269, %reduce_min3A_270 [1] : vector<128x1024xf32> to vector<128xf32>
      %broadcast_in_dim3A_272 = vector.shape_cast %reduce_min3A_271 : vector<128xf32> to vector<128x1xf32>
      %eq3A_273 = vector.broadcast %broadcast_in_dim3A_272 : vector<128x1xf32> to vector<128x1024xf32>
      %eq3A_274 = arith.cmpf oeq, %select_n3A_269, %eq3A_273 : vector<128x1024xf32>
      %jit3A_275 = arith.constant 1024 : i32
      %broadcast_in_dim3A_276 = vector.broadcast %jit3A_275 : i32 to vector<128x1024xi32>
      %select_n3A_277 = arith.select %eq3A_274, %iota3A, %broadcast_in_dim3A_276 : vector<128x1024xi1>, vector<128x1024xi32>
      %reduce_min3A_278 = arith.constant dense<2147483647> : vector<128xi32>
      %reduce_min3A_279 = vector.multi_reduction <minsi>, %select_n3A_277, %reduce_min3A_278 [1] : vector<128x1024xi32> to vector<128xi32>
      %broadcast_in_dim3A_280 = vector.shape_cast %reduce_min3A_279 : vector<128xi32> to vector<128x1xi32>
      %reduce_sum3A_281 = vector.shape_cast %broadcast_in_dim3A_272 : vector<128x1xf32> to vector<1x128x1xf32>
      %reduce_sum3A_282 = arith.constant dense<0.000000e+00> : vector<1xf32>
      %reduce_sum3A_283 = vector.multi_reduction <add>, %reduce_sum3A_281, %reduce_sum3A_282 [1, 2] : vector<1x128x1xf32> to vector<1xf32>
      %reduce_sum3A_284 = vector.shape_cast %reduce_sum3A_283 : vector<1xf32> to vector<1x1x1xf32>
      %reduce_sum3A_285 = vector.extract %reduce_sum3A_284[0, 0, 0] : f32 from vector<1x1x1xf32>
      %add3A_286 = arith.addf %add3A_264, %reduce_sum3A_285 : f32
      %concatenate3A = tpu.concatenate %broadcast_in_dim3A_125, %broadcast_in_dim3A_148, %broadcast_in_dim3A_170, %broadcast_in_dim3A_192, %broadcast_in_dim3A_214, %broadcast_in_dim3A_236, %broadcast_in_dim3A_258, %broadcast_in_dim3A_280 in 1 : vector<128x1xi32>, vector<128x1xi32>, vector<128x1xi32>, vector<128x1xi32>, vector<128x1xi32>, vector<128x1xi32>, vector<128x1xi32>, vector<128x1xi32> -> vector<128x8xi32>
      %swap3A_287 = arith.constant 0 : index
      %swap3A_288 = arith.constant 0 : index
      %swap3A_289 = vector.load %arg4[%swap3A_287, %swap3A_288] : memref<128x8xi32, #tpu.memory_space<vmem>>, vector<128x8xi32>
      tpu.vector_store %arg4[%swap3A_287, %swap3A_288], %concatenate3A {strides = array<i32>} : memref<128x8xi32, #tpu.memory_space<vmem>>, vector<128x8xi32>,
      %swap3A_290 = arith.constant 0 : index
      %swap3A_291 = arith.constant 0 : index
      %swap3A_292 = memref.load %arg5[%swap3A_290, %swap3A_291] : memref<1x1xf32, #tpu.memory_space<smem>>
      memref.store %add3A_286, %arg5[%swap3A_290, %swap3A_291] : memref<1x1xf32, #tpu.memory_space<smem>>
    } else {
    }
    return
  }
  func.func @transform_0(%arg0: i32) -> (i32, i32) {
    %c0_i32 = arith.constant 0 : i32
    %c0_i32_0 = arith.constant 0 : i32
    %c0_i32_1 = arith.constant 0 : i32
    return %c0_i32, %c0_i32_0 : i32, i32
  }
  func.func @transform_1(%arg0: i32) -> (i32, i32) {
    %mul3A = arith.constant 2 : i32
    %mul3A_0 = arith.muli %mul3A, %arg0 : i32
    %add3A = arith.constant 0 : i32
    %add3A_1 = arith.addi %mul3A_0, %add3A : i32
    %c0_i32 = arith.constant 0 : i32
    %c0_i32_2 = arith.constant 0 : i32
    return %add3A_1, %c0_i32 : i32, i32
  }
  func.func @transform_2(%arg0: i32) -> (i32, i32) {
    %mul3A = arith.constant 2 : i32
    %mul3A_0 = arith.muli %mul3A, %arg0 : i32
    %add3A = arith.constant 1 : i32
    %add3A_1 = arith.addi %mul3A_0, %add3A : i32
    %c0_i32 = arith.constant 0 : i32
    %c0_i32_2 = arith.constant 0 : i32
    return %add3A_1, %c0_i32 : i32, i32
  }
  func.func @transform_3(%arg0: i32) -> (i32, i32) {
    %c0_i32 = arith.constant 0 : i32
    %c0_i32_0 = arith.constant 0 : i32
    %c0_i32_1 = arith.constant 0 : i32
    return %c0_i32, %c0_i32_0 : i32, i32
  }
  func.func @transform_4(%arg0: i32) -> (i32, i32) {
    %c0_i32 = arith.constant 0 : i32
    %c0_i32_0 = arith.constant 0 : i32
    %c0_i32_1 = arith.constant 0 : i32
    return %c0_i32, %c0_i32_0 : i32, i32
  }
  func.func @transform_5(%arg0: i32) -> (i32, i32) {
    %c0_i32 = arith.constant 0 : i32
    %c0_i32_0 = arith.constant 0 : i32
    %c0_i32_1 = arith.constant 0 : i32
    return %c0_i32, %c0_i32_0 : i32, i32
  }
}

</mosaic_0001>

<sc_bundles>
// kernel: kernel.4.cloned.1.call-start
scs
__scs_entry_jumppad:
0x0: {  	(pc) =	sbr.rel $0x88, $3  }
0x1: {  	(tag) =	ssettag $0x0;
	lr =	simm.s32 $0x1  }
0x2: {  	[smem:$0x3F9E] =	sst lr;
	_ =	strace $0xD0000000  }
0x3: {  	_ = 	snop  }
0x4: {  	_ = 	snop  }
0x5: {  	_ = 	snop  }
0x6: {  	_ = 	snop  }
0x7: {  	_ = 	snop  }
__scs_overlays_trampoline_lowered:
0x8: {  	[smem:$0x3FAD] =	sst s0  }
0x9: {  	[smem:$0x3FAE] =	sst s1  }
0xa: {  	[smem:$0x3FAF] =	sst s2  }
0xb: {  	[smem:$0x3FB0] =	sst s3  }
0xc: {  	[smem:$0x3FB1] =	sst s4  }
0xd: {  	[smem:$0x3FB2] =	sst s5  }
0xe: {  	[smem:$0x3FB3] =	sst s6  }
0xf: {  	[smem:$0x3FB4] =	sst s7  }
0x10: {  	[smem:$0x3FB5] =	sst s8  }
0x11: {  	[smem:$0x3FB6] =	sst s9;
	s0 =	simm.s32 @!p0 $0x0  }
0x12: {  	s1 =	sld [smem:$0x3F9C];
	s0 =	simm.s32 @p0 $0x1  }
0x13: {  	[smem:$0x3FB7] =	sst s0;
	s0 =	simm.s32 @!p1 $0x0  }
0x14: {  	s2 =	sld [smem:$0x3F9B];
	s0 =	simm.s32 @p1 $0x1  }
0x15: {  	[smem:$0x3FB8] =	sst s0;
	s0 =	simm.s32 @!p2 $0x0  }
0x16: {  	s3 =	sld [smem:$0x3FDB];
	s0 =	simm.s32 @p2 $0x1  }
0x17: {  	s4 =	simm.s32 $0x1BF5;
	[smem:$0x3FBA] =	sst s0  }
0x18: {  	s0 =	sld [smem:$0x3F9D];
	_ =	swait.ge [sflag:s4], $0x0  }
0x19: {  	s7 =	sld [smem:$0x3F9E]  }
0x1a: {  	s8 =	sadd.s32 $0xFFFFE003, lr  }
0x1b: {  	s9 =	sadd.s32 $0xFFFFFEF7, lr;
	s5 =	simm.s32 $0xFFFFFFFF;
	p2 =	slt.u32 s8, $0xFFFFF086  }
0x1c: {  	p1 =	slt.u32 s9, $0xF7A;
	s5 =	simm.s32 @!p2 $0x0  }
0x1d: {  	s5 =	simm.s32 @p1 $0x1;
	p0 =	seq.s32 s7, s2  }
0x1e: {  	s7 =	smul.u32 @!p0 $0xF7A, s2;
	p2 =	seq.s32 @!p0 s5, $0x0  }
0x1f: {  	s9 =	smul.u32 $0xF7A, s1;
	s8 =	simm.s32 @!p0 $0x1BF5;
	p2 =	por !p2, p0  }
0x20: {  	[sflag:s8] =	ssyncset.s32 @!p0 $0xFFFFF086;
	s6 =	sadd.s32 @!p0 s3, s7;
	s7 =	simm.s32 @!p0 $0x108  }
0x21: {  	s3 =	sadd.s32 s3, s9;
	s6 =	sadd.s32 @!p0 $0x88, s6;
	s7 =	simm.s32 @p2 $0x1082  }
0x22: {  	[simem:s7], [sflag:s8] =	dma.local @!p0 [hbm:s6], $0xF7A  }
0x23: {  	s9 =	sor.u32 $0xD0000000, s2;
	s6 =	simm.s32 $0x108;
	_ =	swait.ge @!p0 [sflag:s8], $0x0  }
0x24: {  	s3 =	sadd.s32 $0x88, s3;
	s6 =	simm.s32 @!p1 $0x1082;
	[sflag:s4] =	ssyncset.s32 $0xFFFFF086  }
0x25: {  	[simem:s6], [sflag:s4] =	dma.local [hbm:s3], $0xF7A  }
0x26: {  	[smem:$0x3F9E] =	sst s1;
	(tag) =	ssettag s2;
	_ =	strace s9  }
0x27: {  	s1 =	sld [smem:$0x3FAE]  }
0x28: {  	s2 =	sld [smem:$0x3FAF]  }
0x29: {  	s4 =	sld [smem:$0x3FB1]  }
0x2a: {  	p0 =	seq.s32 s5, $0x0;
	s5 =	sld [smem:$0x3FB2]  }
0x2b: {  	s6 =	sld [smem:$0x3FB3]  }
0x2c: {  	s7 =	sld [smem:$0x3FB4]  }
0x2d: {  	s3 =	simm.s32 $0x108;
	s8 =	sld [smem:$0x3FB5]  }
0x2e: {  	s3 =	simm.s32 @!p0 $0x1082;
	s9 =	sld [smem:$0x3FB6]  }
0x2f: {  	lr =	sadd.s32 s0, s3;
	s0 =	sld [smem:$0x3FAD]  }
0x30: {  	s3 =	sld [smem:$0x3FB0]  }
0x31: {  	[smem:$0x3FB9] =	sst s10  }
0x32: {  	s10 =	sld [smem:$0x3FB7];
	_ =	sdelay $0x3  }
0x33: {  	p0 =	seq.s32 s10, $0x1;
	s10 =	sld [smem:$0x3FB9];
	_ =	sdelay $0x3  }
0x34: {  	[smem:$0x3FB9] =	sst s10  }
0x35: {  	s10 =	sld [smem:$0x3FB8];
	_ =	sdelay $0x3  }
0x36: {  	p1 =	seq.s32 s10, $0x1;
	s10 =	sld [smem:$0x3FB9];
	_ =	sdelay $0x3  }
0x37: {  	[smem:$0x3FB9] =	sst s10  }
0x38: {  	s10 =	sld [smem:$0x3FBA]  }
0x39: {  	_ = 	snop;
	(pc) =	sbr.ind lr, $3  }
0x3a: {  	_ = 	snop  }
0x3b: {  	_ = 	snop  }
0x3c: {  	p2 =	seq.s32 s10, $0x1;
	s10 =	sld [smem:$0x3FB9]  }
0x3d: {  	_ =	shalt  }
0x3e: {  	_ =	shalt  }
0x3f: {  	_ =	shalt  }
0x40: {  	_ =	shalt  }
0x41: {  	_ =	shalt  }
0x42: {  	_ =	shalt  }
0x43: {  	_ =	shalt  }
0x44: {  	_ =	shalt  }
0x45: {  	_ =	shalt  }
0x46: {  	_ =	shalt  }
0x47: {  	_ =	shalt  }
0x48: {  	_ =	shalt  }
0x49: {  	_ =	shalt  }
0x4a: {  	_ =	shalt  }
0x4b: {  	_ =	shalt  }
0x4c: {  	_ =	shalt  }
0x4d: {  	_ =	shalt  }
0x4e: {  	_ =	shalt  }
0x4f: {  	_ =	shalt  }
0x50: {  	_ =	shalt  }
0x51: {  	_ =	shalt  }
0x52: {  	_ =	shalt  }
0x53: {  	_ =	shalt  }
0x54: {  	_ =	shalt  }
0x55: {  	_ =	shalt  }
0x56: {  	_ =	shalt  }
0x57: {  	_ =	shalt  }
0x58: {  	_ =	shalt  }
0x59: {  	_ =	shalt  }
0x5a: {  	_ =	shalt  }
0x5b: {  	_ =	shalt  }
0x5c: {  	_ =	shalt  }
0x5d: {  	_ =	shalt  }
0x5e: {  	_ =	shalt  }
0x5f: {  	_ =	shalt  }
0x60: {  	_ =	shalt  }
0x61: {  	_ =	shalt  }
0x62: {  	_ =	shalt  }
0x63: {  	_ =	shalt  }
0x64: {  	_ =	shalt  }
0x65: {  	_ =	shalt  }
0x66: {  	_ =	shalt  }
0x67: {  	_ =	shalt  }
0x68: {  	_ =	shalt  }
0x69: {  	_ =	shalt  }
0x6a: {  	_ =	shalt  }
0x6b: {  	_ =	shalt  }
0x6c: {  	_ =	shalt  }
0x6d: {  	_ =	shalt  }
0x6e: {  	_ =	shalt  }
0x6f: {  	_ =	shalt  }
0x70: {  	_ =	shalt  }
0x71: {  	_ =	shalt  }
0x72: {  	_ =	shalt  }
0x73: {  	_ =	shalt  }
0x74: {  	_ =	shalt  }
0x75: {  	_ =	shalt  }
0x76: {  	_ =	shalt  }
0x77: {  	_ =	shalt  }
0x78: {  	_ =	shalt  }
0x79: {  	_ =	shalt  }
0x7a: {  	_ =	shalt  }
0x7b: {  	_ =	shalt  }
0x7c: {  	_ =	shalt  }
0x7d: {  	_ =	shalt  }
0x7e: {  	_ =	shalt  }
0x7f: {  	_ =	shalt  }
0x80: {  	_ =	shalt  }
0x81: {  	_ =	shalt  }
0x82: {  	_ =	shalt  }
0x83: {  	_ =	shalt  }
0x84: {  	_ =	shalt  }
0x85: {  	_ =	shalt  }
0x86: {  	_ =	shalt  }
0x87: {  	_ =	shalt  }
.Lfunc_end0:
.L_simem_size_0:
called_computation_lowered:
.L_overlay_start_0:
0x88: {  	s2 =	sld [smem:$0x3FD9]  }
0x89: {  	s3 =	sld [smem:$0x3FFE];
	_ =	sdelay $0x1  }
0x8a: {  	s1 =	srdreg.scid  }
0x8b: {  	s0 =	sand.u32 $0x1, s1  }
0x8c: {  	s14 =	sshll.u32 s0, $0xA;
	s2 =	sadd.s32 s3, s2  }
0x8d: {  	s2 =	sadd.s32 s2, s14  }
0x8e: {  	[smem:$0x3FC5] =	sst s2  }
0x8f: {  	_ = 	snop  }
0x90: {  	s2 =	sld [smem:$0x3FD0];
	_ =	sdelay $0x2  }
0x91: {  	s4 =	simm.s32 $0xA;
	s5 =	simm.s32 $0x10;
	s15 =	sld [smem:$0x3FC7]  }
0x92: {  	[smem:s5], [sflag:s4] =	dma.local [hbm:s2], $0x1  }
0x93: {  	_ =	swait.eq [sflag:s4], $0x1  }
0x94: {  	[sflag:s4] =	ssyncset.done $0x0  }
0x95: {  	[sflag:s4] =	ssyncadd.s32 $0xFFFFFFFF  }
0x96: {  	s16 =	sld [smem:$0x10];
	(tm) =	ssettm $0x1  }
0x97: {  	s17 =	sld [smem:$0x3FFB];
	_ =	sdelay $0x3  }
0x98: {  	_ =	strace s17  }
0x99: {  	s4 =	sld [smem:$0x3FFC];
	_ =	sdelay $0x3  }
0x9a: {  	_ =	strace s4  }
0x9b: {  	s4 =	sld [smem:$0x3FFD];
	_ =	sdelay $0x3  }
0x9c: {  	_ =	strace s4  }
0x9d: {  	_ =	strace $0x8FFFFFFF  }
0x9e: {  	s18 =	sld [smem:$0x3FDB];
	_ =	sdelay $0x1  }
0x9f: {  	s19 =	simm.s32 $_scs_section_size  }
0xa0: {  	s6 =	simm.s32 $_size__tile_overlayer_lowered;
	s7 =	simm.s32 $_tile_overlayer_lowered  }
0xa1: {  	s22 =	simm.s32 $0x1BFF;
	s21 =	sshll.u32 s7, $0x1;
	s4 =	sadd.s32 s19, s18  }
0xa2: {  	s8 =	simm.s32 $0x0;
	s20 =	sshll.u32 s6, $0x1;
	s6 =	sadd.s32 s21, s4  }
0xa3: {  	[timem:s8], [sflag:s22] =	dma.local [hbm:s6], s20  }
0xa4: {  	_ =	swait.ge [sflag:s22], s20  }
0xa5: {  	s5 =	ssub.s32 $0x0, s20;
	[sflag:s22] =	ssyncset.done $0x0  }
0xa6: {  	[sflag:s22] =	ssyncadd.s32 s5;
	_ =	sdelay $0x1  }
0xa7: {  	s23 =	simm.s32 $0x1B8B  }
0xa8: {  	_ =	swait.ge [sflag:s23], $0x1  }
0xa9: {  	[sflag:s23] =	ssyncset.done $0x0  }
0xaa: {  	s25 =	simm.s32 $0x1B8E;
	s24 =	sld [smem:$0x3FFE];
	[sflag:s23] =	ssyncadd.s32 $0xFFFFFFFF  }
0xab: {  	s26 =	simm.s32 $execute0_lowered;
	[smem:$0x3FD2] =	sst s25  }
0xac: {  	s6 =	sshll.u32 s26, $0x1;
	_ =	strace $0x80000046;
	[dreg:$0x1] =	wrdreg $0xFFFFFFFF  }
0xad: {  	s28 =	simm.s32 $_size_execute0_lowered;
	s4 =	sadd.s32 s4, s6;
	[dreg:$0x0] =	wrdreg $0x0  }
0xae: {  	s6 =	sshll.u32 s28, $0x1;
	[dreg:$0x2] =	wrdreg s4  }
0xaf: {  	[dreg:$0x3] =	wrdreg s6  }
0xb0: {  	[dreg:$0x4] =	wrdreg $0xC0  }
0xb1: {  	_ =	task [dreg:s8], $0x5FFFF  }
0xb2: {  	[dreg:$0x1] =	wrdreg $0xFFFFFFFF  }
0xb3: {  	[dreg:$0x0] =	wrdreg $0x60  }
0xb4: {  	[dreg:$0x2] =	wrdreg s15  }
0xb5: {  	[dreg:$0x3] =	wrdreg s24  }
0xb6: {  	[dreg:$0x4] =	wrdreg s16  }
0xb7: {  	[dreg:$0x5] =	wrdreg $0x9  }
0xb8: {  	_ =	task.clear_ibuf [dreg:s8], $0x6FFFF;
	_ =	strace $0x90000046  }
0xb9: {  	s29 =	simm.s32 $0x9;
	_ =	strace $0x80000048  }
0xba: {  	_ =	swait.ge [sflag:s29], $0x1  }
0xbb: {  	[sflag:s29] =	ssyncadd.s32 $0xFFFFFFFF  }
0xbc: {  	_ =	strace $0x90000048  }
0xbd: {  	_ =	sfence  }
0xbe: {  	s30 =	sld [smem:$0x0];
	_ =	sdelay $0x2  }
0xbf: {  	s31 =	sshll.u32 s1, $0xD;
	s1 =	sshrl.u32 s1, $0x2  }
0xc0: {  	s3 =	sand.u32 $0x4000, s31;
	s1 =	sadd.s32 s1, s30  }
0xc1: {  	s0 =	sor.u32 s3, s0;
	s1 =	sshll.u32 s1, $0x11  }
0xc2: {  	s0 =	sor.u32 s1, s0  }
0xc3: {  	s0 =	sadd.s32 $0x8F2B, s0  }
0xc4: {  	[sflag:s0] =	ssyncadd.remote.s32 $0x1  }
0xc5: {  	_ =	sfence.sel $0xFFFF  }
0xc6: {  	[dreg:$0x0] =	wrdreg $0xFFFFFFFF;
	(pc) =	sbr.abs _section_cstart, $3  }
0xc7: {  	[dreg:$0x1] =	wrdreg $0xFFFFFFFF  }
0xc8: {  	_ =	task.clear_ibuf [dreg:s8], $0x2FFFF;
	_ =	strace $0x9FFFFFFF  }
0xc9: {  	(tm) =	ssettm $0x7FFFFFFF  }
tec
execute0_lowered:
.L_overlay_start_1:
0x0: {  	(tag) =	ssettag $0x1  }
0x1: {  	s1 =	rddreg [dreg:$0x0]  }
0x2: {  	s0 =	rddreg [dreg:$0x1]  }
0x3: {  	s2 =	rddreg [dreg:$0x2]  }
0x4: {  	s4 =	srdreg.scid;
	s3 =	simm.s32 $0x0;
	s7 =	stileid.u32  }
0x5: {  	s23 =	simm.s32 $0x3;
	s24 =	simm.s32 $0x200;
	s28 =	simm.s32 $0xE200  }
0x6: {  	s29 =	simm.s32 $0xEA00;
	s30 =	simm.s32 $0xF200;
	s21 =	simm.s32 $0xFA00  }
0x7: {  	s31 =	simm.s32 $0x1;
	s22 =	simm.s32 $0x400;
	s4 =	sand.u32 $0x1, s4  }
0x8: {  	[smem:$0x7FF] =	sst s3;
	s5 =	sshll.u32 s7, $0xA;
	s7 =	sshll.u32 s7, $0xF  }
0x9: {  	s8 =	sadd.s32 $0x300, s1;
	s9 =	sadd.s32 $0x400, s1;
	s10 =	sadd.s32 $0x500, s1  }
0xa: {  	s11 =	sadd.s32 $0x600, s1;
	s12 =	sadd.s32 $0x700, s1;
	s13 =	sadd.s32 $0x800, s1  }
0xb: {  	s14 =	sadd.s32 $0x900, s1;
	s15 =	sadd.s32 $0xA00, s1;
	s16 =	sadd.s32 $0xB00, s1  }
0xc: {  	s17 =	sadd.s32 $0xC00, s1;
	s18 =	sadd.s32 $0xD00, s1;
	s19 =	sadd.s32 $0xE00, s1  }
0xd: {  	s20 =	sadd.s32 $0xF00, s1;
	s6 =	sshll.u32 s4, $0x9;
	_ =	strace $0x80000047  }
0xe: {  	s4 =	ssub.s32 $0x2, s4;
	s5 =	sor.u32 s6, s5;
	s6 =	sor.u32 s6, s7  }
0xf: {  	s25 =	sshrl.u32 s4, $0x1;
	s7 =	sadd.s32 $0x200, s1;
	s6 =	sshrl.u32 s6, $0x3  }
0x10: {  	s5 =	sshrl.u32 s5, $0x3;
	s4 =	ssub.s32 s4, s25;
	s2 =	sadd.s32 s2, s6  }
0x11: {  	s5 =	sadd.s32 s5, s0;
	s26 =	smax.u32 s4, $0x1;
	[dreg:$0x5] =	wrdreg s2  }
0x12: {  	v0 =	vlaneseq.u32;
	s0 =	sadd.s32 s6, s0;
	s5 =	sadd.s32 $0xC00, s5;
	[dreg:$0x7] =	wrdreg s26  }
0x13: {  	v1 =	vshrl.u32 v0, $0x3;
	s6 =	sadd.s32 $0x100, s1;
	s0 =	sadd.s32 $0x1400, s0;
	[dreg:$0x4] =	wrdreg s5  }
0x14: {  	vm0 =	vmmov $0xffff;
	v0 =	vand.u32 $0x7, v0;
	v1 =	vmul.u32 $0x8, v1;
	s4 =	simm.s32 $0x0;
	[dreg:$0x6] =	wrdreg s0;
	s5 =	simm.s32 $0x2  }
.LBB2_1:
0x15: {  	s0 =	rddreg [dreg:$0x4]  }
0x16: {  	[tilespmem:s3], [sflag:$0x3] =	stream.linear.gather [hbm4b:s0+s3], $0x200, $0x38;
	[tilespmem:$0x18200] =	vst v63  }
0x17: {  	_ =	swait.ge [sflag:s23], $0x200  }
0x18: {  	[sflag:s23] =	ssyncset.done $0x0  }
0x19: {  	s2 =	simm.s32 $0x10200;
	s26 =	rddreg [dreg:$0x5];
	[sflag:s23] =	ssyncadd.s32 $0xFFFFFE00  }
0x1a: {  	[tilespmem:s2], [sflag:$0x2] =	stream.strided.gather [hbm4b:s26+s24], $0x4000, s22, s24, $0x38;
	[tilespmem:$0x18200] =	vst v63  }
0x1b: {  	v2 =	vld.msk [tilespmem:$0x0], $0xff;
	_ =	sdelay $0x4  }
0x1c: {  	v3 =	vshll.u32 v2, $0x5  }
0x1d: {  	v2 =	vand.u32 $0x7, v2;
	v3 =	vand.u32 $0xFFFFFF00, v3  }
0x1e: {  	v2 =	vor.u32 v2, v3  }
0x1f: {  	v2 =	vperm.xlane v2, v0;
	_ =	sdelay $0x1  }
0x20: {  	v2 =	vadd.s32 v1, v2;
	_ =	sdelay $0x4  }
0x21: {  	[tilespmem:s24], [sflag:$0x1] =	stream.indirect_vreg.gather [hbm4b:s1+s3], $0x80, v2, vm0, $0xb8;
	[tilespmem:$0x18200] =	vst v63  }
0x22: {  	s2 =	simm.s32 $0xA00  }
0x23: {  	[tilespmem:s2], [sflag:$0x1] =	stream.indirect_vreg.gather [hbm4b:s6+s3], $0x80, v2, vm0, $0xb8;
	[tilespmem:$0x18200] =	vst v63  }
0x24: {  	s25 =	simm.s32 $0x1200  }
0x25: {  	[tilespmem:s25], [sflag:$0x1] =	stream.indirect_vreg.gather [hbm4b:s7+s3], $0x80, v2, vm0, $0xb8;
	[tilespmem:$0x18200] =	vst v63  }
0x26: {  	s26 =	simm.s32 $0x1A00  }
0x27: {  	[tilespmem:s26], [sflag:$0x1] =	stream.indirect_vreg.gather [hbm4b:s8+s3], $0x80, v2, vm0, $0xb8;
	[tilespmem:$0x18200] =	vst v63  }
0x28: {  	s2 =	simm.s32 $0x2200  }
0x29: {  	[tilespmem:s2], [sflag:$0x1] =	stream.indirect_vreg.gather [hbm4b:s9+s3], $0x80, v2, vm0, $0xb8;
	[tilespmem:$0x18200] =	vst v63  }
0x2a: {  	s25 =	simm.s32 $0x2A00  }
0x2b: {  	[tilespmem:s25], [sflag:$0x1] =	stream.indirect_vreg.gather [hbm4b:s10+s3], $0x80, v2, vm0, $0xb8;
	[tilespmem:$0x18200] =	vst v63  }
0x2c: {  	s26 =	simm.s32 $0x3200  }
0x2d: {  	[tilespmem:s26], [sflag:$0x1] =	stream.indirect_vreg.gather [hbm4b:s11+s3], $0x80, v2, vm0, $0xb8;
	[tilespmem:$0x18200] =	vst v63  }
0x2e: {  	s2 =	simm.s32 $0x3A00  }
0x2f: {  	[tilespmem:s2], [sflag:$0x1] =	stream.indirect_vreg.gather [hbm4b:s12+s3], $0x80, v2, vm0, $0xb8;
	[tilespmem:$0x18200] =	vst v63  }
0x30: {  	s25 =	simm.s32 $0x4200  }
0x31: {  	[tilespmem:s25], [sflag:$0x1] =	stream.indirect_vreg.gather [hbm4b:s13+s3], $0x80, v2, vm0, $0xb8;
	[tilespmem:$0x18200] =	vst v63  }
0x32: {  	s26 =	simm.s32 $0x4A00  }
0x33: {  	[tilespmem:s26], [sflag:$0x1] =	stream.indirect_vreg.gather [hbm4b:s14+s3], $0x80, v2, vm0, $0xb8;
	[tilespmem:$0x18200] =	vst v63  }
0x34: {  	s2 =	simm.s32 $0x5200  }
0x35: {  	[tilespmem:s2], [sflag:$0x1] =	stream.indirect_vreg.gather [hbm4b:s15+s3], $0x80, v2, vm0, $0xb8;
	[tilespmem:$0x18200] =	vst v63  }
0x36: {  	s25 =	simm.s32 $0x5A00  }
0x37: {  	[tilespmem:s25], [sflag:$0x1] =	stream.indirect_vreg.gather [hbm4b:s16+s3], $0x80, v2, vm0, $0xb8;
	[tilespmem:$0x18200] =	vst v63  }
0x38: {  	s26 =	simm.s32 $0x6200  }
0x39: {  	[tilespmem:s26], [sflag:$0x1] =	stream.indirect_vreg.gather [hbm4b:s17+s3], $0x80, v2, vm0, $0xb8;
	[tilespmem:$0x18200] =	vst v63  }
0x3a: {  	s2 =	simm.s32 $0x6A00  }
0x3b: {  	[tilespmem:s2], [sflag:$0x1] =	stream.indirect_vreg.gather [hbm4b:s18+s3], $0x80, v2, vm0, $0xb8;
	[tilespmem:$0x18200] =	vst v63  }
0x3c: {  	s25 =	simm.s32 $0x7200  }
0x3d: {  	[tilespmem:s25], [sflag:$0x1] =	stream.indirect_vreg.gather [hbm4b:s19+s3], $0x80, v2, vm0, $0xb8;
	[tilespmem:$0x18200] =	vst v63  }
0x3e: {  	s26 =	simm.s32 $0x7A00  }
0x3f: {  	[tilespmem:s26], [sflag:$0x1] =	stream.indirect_vreg.gather [hbm4b:s20+s3], $0x80, v2, vm0, $0xb8;
	[tilespmem:$0x18200] =	vst v63  }
0x40: {  	_ =	swait.ge [sflag:s5], $0x4000  }
0x41: {  	[sflag:s5] =	ssyncset.done $0x0  }
0x42: {  	[sflag:s5] =	ssyncadd.s32 $0xFFFFC000  }
0x43: {  	v2 =	vld.msk [tilespmem:$0x80], $0xff;
	_ =	sdelay $0x4  }
0x44: {  	v3 =	vshll.u32 v2, $0x5  }
0x45: {  	v2 =	vand.u32 $0x7, v2;
	v3 =	vand.u32 $0xFFFFFF00, v3  }
0x46: {  	v2 =	vor.u32 v2, v3  }
0x47: {  	v2 =	vperm.xlane v2, v0;
	_ =	sdelay $0x1  }
0x48: {  	v2 =	vadd.s32 v1, v2;
	_ =	sdelay $0x3  }
0x49: {  	s2 =	simm.s32 $0x8200  }
0x4a: {  	[tilespmem:s2], [sflag:$0x2] =	stream.indirect_vreg.gather [hbm4b:s1+s3], $0x80, v2, vm0, $0xb8;
	[tilespmem:$0x18200] =	vst v63  }
0x4b: {  	s25 =	simm.s32 $0x8A00  }
0x4c: {  	[tilespmem:s25], [sflag:$0x2] =	stream.indirect_vreg.gather [hbm4b:s6+s3], $0x80, v2, vm0, $0xb8;
	[tilespmem:$0x18200] =	vst v63  }
0x4d: {  	s26 =	simm.s32 $0x9200  }
0x4e: {  	[tilespmem:s26], [sflag:$0x2] =	stream.indirect_vreg.gather [hbm4b:s7+s3], $0x80, v2, vm0, $0xb8;
	[tilespmem:$0x18200] =	vst v63  }
0x4f: {  	s2 =	simm.s32 $0x9A00  }
0x50: {  	[tilespmem:s2], [sflag:$0x2] =	stream.indirect_vreg.gather [hbm4b:s8+s3], $0x80, v2, vm0, $0xb8;
	[tilespmem:$0x18200] =	vst v63  }
0x51: {  	s25 =	simm.s32 $0xA200  }
0x52: {  	[tilespmem:s25], [sflag:$0x2] =	stream.indirect_vreg.gather [hbm4b:s9+s3], $0x80, v2, vm0, $0xb8;
	[tilespmem:$0x18200] =	vst v63  }
0x53: {  	s26 =	simm.s32 $0xAA00  }
0x54: {  	[tilespmem:s26], [sflag:$0x2] =	stream.indirect_vreg.gather [hbm4b:s10+s3], $0x80, v2, vm0, $0xb8;
	[tilespmem:$0x18200] =	vst v63  }
0x55: {  	s2 =	simm.s32 $0xB200  }
0x56: {  	[tilespmem:s2], [sflag:$0x2] =	stream.indirect_vreg.gather [hbm4b:s11+s3], $0x80, v2, vm0, $0xb8;
	[tilespmem:$0x18200] =	vst v63  }
0x57: {  	s25 =	simm.s32 $0xBA00  }
0x58: {  	[tilespmem:s25], [sflag:$0x2] =	stream.indirect_vreg.gather [hbm4b:s12+s3], $0x80, v2, vm0, $0xb8;
	[tilespmem:$0x18200] =	vst v63  }
0x59: {  	s26 =	simm.s32 $0xC200  }
0x5a: {  	[tilespmem:s26], [sflag:$0x2] =	stream.indirect_vreg.gather [hbm4b:s13+s3], $0x80, v2, vm0, $0xb8;
	[tilespmem:$0x18200] =	vst v63  }
0x5b: {  	s2 =	simm.s32 $0xCA00  }
0x5c: {  	[tilespmem:s2], [sflag:$0x2] =	stream.indirect_vreg.gather [hbm4b:s14+s3], $0x80, v2, vm0, $0xb8;
	[tilespmem:$0x18200] =	vst v63  }
0x5d: {  	s25 =	simm.s32 $0xD200  }
0x5e: {  	[tilespmem:s25], [sflag:$0x2] =	stream.indirect_vreg.gather [hbm4b:s15+s3], $0x80, v2, vm0, $0xb8;
	[tilespmem:$0x18200] =	vst v63  }
0x5f: {  	s26 =	simm.s32 $0xDA00  }
0x60: {  	[tilespmem:s26], [sflag:$0x2] =	stream.indirect_vreg.gather [hbm4b:s16+s3], $0x80, v2, vm0, $0xb8;
	[tilespmem:$0x18200] =	vst v63  }
0x61: {  	_ = 	snop  }
0x62: {  	[tilespmem:s28], [sflag:$0x2] =	stream.indirect_vreg.gather [hbm4b:s17+s3], $0x80, v2, vm0, $0xb8;
	[tilespmem:$0x18200] =	vst v63  }
0x63: {  	_ = 	snop  }
0x64: {  	[tilespmem:s29], [sflag:$0x2] =	stream.indirect_vreg.gather [hbm4b:s18+s3], $0x80, v2, vm0, $0xb8;
	[tilespmem:$0x18200] =	vst v63  }
0x65: {  	_ = 	snop  }
0x66: {  	[tilespmem:s30], [sflag:$0x2] =	stream.indirect_vreg.gather [hbm4b:s19+s3], $0x80, v2, vm0, $0xb8;
	[tilespmem:$0x18200] =	vst v63  }
0x67: {  	_ = 	snop  }
0x68: {  	[tilespmem:s21], [sflag:$0x2] =	stream.indirect_vreg.gather [hbm4b:s20+s3], $0x80, v2, vm0, $0xb8;
	[tilespmem:$0x18200] =	vst v63  }
0x69: {  	_ =	swait.ge [sflag:s31], $0x8000  }
0x6a: {  	[sflag:s31] =	ssyncset.done $0x0  }
0x6b: {  	[sflag:s31] =	ssyncadd.s32 $0xFFFF8000  }
0x6c: {  	v2 =	vld [tilespmem:s22+$0xFFFFFE70]  }
0x6d: {  	v3 =	vld [tilespmem:s22+$0xFFFFFEF0]  }
0x6e: {  	v4 =	vld [tilespmem:s22+$0xFFFFFE80]  }
0x6f: {  	v5 =	vld [tilespmem:s22+$0xFFFFFF70]  }
0x70: {  	v6 =	vld [tilespmem:s22+$0xFFFFFE10]  }
0x71: {  	v7 =	vld [tilespmem:s22+$0xFFFFFFF0]  }
0x72: {  	v8 =	vld [tilespmem:s22+$0xFFFFFE90]  }
0x73: {  	v9 =	vld [tilespmem:s22+$0x70]  }
0x74: {  	v10 =	vld [tilespmem:s22+$0xFFFFFE20]  }
0x75: {  	v11 =	vld [tilespmem:s22+$0xF0]  }
0x76: {  	v12 =	vld [tilespmem:s22+$0xFFFFFEA0]  }
0x77: {  	v13 =	vld [tilespmem:s22+$0x170]  }
0x78: {  	v14 =	vld [tilespmem:s22+$0xFFFFFE30]  }
0x79: {  	v15 =	vld [tilespmem:s22+$0x1F0]  }
0x7a: {  	v16 =	vld [tilespmem:s22+$0xFFFFFEB0]  }
0x7b: {  	v17 =	vld [tilespmem:s22+$0xFFFFFE40]  }
0x7c: {  	s0 =	simm.s32 $0x10240;
	v18 =	vld [tilespmem:s22+$0xFFFFFEC0]  }
0x7d: {  	v19 =	vld [tilespmem:s0+$0x30]  }
0x7e: {  	v20 =	vld [tilespmem:s22+$0xFFFFFE50]  }
0x7f: {  	v21 =	vld [tilespmem:s22+$0xFFFFFED0]  }
0x80: {  	v22 =	vld [tilespmem:s22+$0xFFFFFE60]  }
0x81: {  	v23 =	vld [tilespmem:s22+$0xFFFFFEE0]  }
0x82: {  	v24 =	vld [tilespmem:s22+$0xFFFFFE00]  }
0x83: {  	v25 =	vld [tilespmem:s22+$0xFFFFFF00]  }
0x84: {  	v26 =	vld [tilespmem:s22+$0xFFFFFF10]  }
0x85: {  	v27 =	vld [tilespmem:s22+$0xFFFFFF20]  }
0x86: {  	v28 =	vld [tilespmem:s22+$0xFFFFFF30]  }
0x87: {  	v29 =	vld [tilespmem:s22+$0xFFFFFF40]  }
0x88: {  	v30 =	vld [tilespmem:s22+$0xFFFFFF50]  }
0x89: {  	v31 =	vld [tilespmem:s22+$0xFFFFFF60]  }
0x8a: {  	v32 =	vld [tilespmem:s22+$0xFFFFFF80]  }
0x8b: {  	v33 =	vld [tilespmem:s22+$0xFFFFFFA0]  }
0x8c: {  	v34 =	vld [tilespmem:s22+$0xFFFFFFC0]  }
0x8d: {  	v35 =	vld [tilespmem:s22+$0xFFFFFFE0]  }
0x8e: {  	v36 =	vld [tilespmem:s22+$0x10]  }
0x8f: {  	v37 =	vld [tilespmem:s22+$0x30]  }
0x90: {  	v38 =	vld [tilespmem:s22+$0x50]  }
0x91: {  	v50 =	vld [tilespmem:s22+$0xA0]  }
0x92: {  	v52 =	vld [tilespmem:s22+$0xB0]  }
0x93: {  	v54 =	vld [tilespmem:s22+$0xC0];
	v2 =	vadd.f32 v3, v2  }
0x94: {  	v55 =	vld [tilespmem:s22+$0xD0]  }
0x95: {  	v56 =	vld [tilespmem:s22+$0xE0];
	v2 =	vadd.f32 v5, v2  }
0x96: {  	v57 =	vld [tilespmem:s22+$0x100];
	v6 =	vadd.f32 v8, v6  }
0x97: {  	v58 =	vld [tilespmem:s22+$0x160];
	v10 =	vadd.f32 v12, v10;
	v2 =	vadd.f32 v7, v2  }
0x98: {  	v59 =	vld [tilespmem:s22+$0x180];
	v12 =	vadd.f32 v16, v14;
	v4 =	vadd.f32 v4, v24  }
0x99: {  	v3 =	vld [tilespmem:s22+$0xFFFFFF90];
	v49 =	vadd.f32 v18, v17;
	v2 =	vadd.f32 v9, v2  }
0x9a: {  	v53 =	vadd.f32 v23, v22;
	v5 =	vld [tilespmem:s22+$0xFFFFFFB0];
	v4 =	vadd.f32 v25, v4  }
0x9b: {  	v60 =	vld [tilespmem:s22+$0x1B0];
	v6 =	vadd.f32 v26, v6;
	v2 =	vadd.f32 v11, v2  }
0x9c: {  	v14 =	vld [tilespmem:s22+$0x90];
	v10 =	vadd.f32 v27, v10;
	v12 =	vadd.f32 v28, v12  }
0x9d: {  	v16 =	vadd.f32 v29, v49;
	v9 =	vld [tilespmem:s22+$0x0];
	v2 =	vadd.f32 v13, v2  }
0x9e: {  	v61 =	vld [tilespmem:s22+$0x1C0];
	v4 =	vadd.f32 v32, v4;
	v3 =	vadd.f32 v3, v6  }
0x9f: {  	v6 =	vld [tilespmem:s22+$0x110];
	v5 =	vadd.f32 v5, v12;
	v2 =	vadd.f32 v15, v2  }
0xa0: {  	v8 =	vld [tilespmem:s22+$0x80];
	v10 =	vadd.f32 v33, v10;
	v3 =	vadd.f32 v36, v3  }
0xa1: {  	v16 =	vadd.f32 v34, v16;
	v11 =	vld [tilespmem:s22+$0x20];
	v5 =	vadd.f32 v37, v5;
	v2 =	vmul.f32 $5.000000000e-01, v2  }
0xa2: {  	v7 =	vld [tilespmem:s22+$0xFFFFFFD0];
	v3 =	vadd.f32 v14, v3;
	v4 =	vadd.f32 v9, v4  }
0xa3: {  	v13 =	vld [tilespmem:s22+$0x40];
	v51 =	vadd.f32 v2, v19;
	v2 =	vadd.f32 v21, v20  }
0xa4: {  	v5 =	vadd.f32 v52, v5;
	v3 =	vadd.f32 v6, v3;
	v15 =	vld [tilespmem:s22+$0x60]  }
0xa5: {  	v12 =	vld [tilespmem:s22+$0x120];
	v20 =	vadd.f32 v31, v53;
	v2 =	vadd.f32 v30, v2  }
0xa6: {  	v9 =	vld [tilespmem:s22+$0x140];
	v10 =	vadd.f32 v11, v10;
	v4 =	vadd.f32 v8, v4  }
0xa7: {  	v20 =	vadd.f32 v35, v20;
	v2 =	vadd.f32 v7, v2;
	v7 =	vld [tilespmem:s22+$0x130]  }
0xa8: {  	v14 =	vld [tilespmem:s22+$0x1A0];
	v13 =	vadd.f32 v13, v16;
	v10 =	vadd.f32 v50, v10  }
0xa9: {  	v11 =	vld [tilespmem:s22+$0x150];
	v4 =	vadd.f32 v57, v4;
	v15 =	vadd.f32 v15, v20  }
0xaa: {  	v8 =	vld [tilespmem:s22+$0x190];
	v13 =	vadd.f32 v54, v13;
	v6 =	vadd.f32 v12, v10  }
0xab: {  	v10 =	vld [tilespmem:s22+$0x1D0];
	v2 =	vadd.f32 v38, v2;
	v15 =	vadd.f32 v56, v15  }
0xac: {  	v5 =	vadd.f32 v7, v5;
	v7 =	vadd.f32 v9, v13;
	v9 =	vld [tilespmem:s22+$0x1E0]  }
0xad: {  	v4 =	vadd.f32 v59, v4;
	v2 =	vadd.f32 v55, v2;
	v13 =	vld [tilespmem:s0+$0xFFFFFFC0]  }
0xae: {  	v6 =	vadd.f32 v14, v6;
	v12 =	vadd.f32 v58, v15;
	v15 =	vld [tilespmem:s0+$0xFFFFFFD0]  }
0xaf: {  	v8 =	vadd.f32 v8, v3;
	v62 =	vmul.f32 $5.000000000e-01, v4;
	v11 =	vadd.f32 v11, v2;
	v2 =	vld [tilespmem:s0+$0xFFFFFFE0]  }
0xb0: {  	v3 =	vld [tilespmem:s0+$0xFFFFFFF0];
	v5 =	vadd.f32 v60, v5;
	v14 =	vadd.f32 v61, v7;
	v7 =	vmul.f32 $5.000000000e-01, v6  }
0xb1: {  	v4 =	vld [tilespmem:s0+$0x0];
	v10 =	vadd.f32 v10, v11;
	v11 =	vmul.f32 $5.000000000e-01, v8;
	v63 =	vadd.f32 v9, v12  }
0xb2: {  	s2 =	simm.s32 $0x14240;
	v6 =	vld [tilespmem:s0+$0x10];
	v8 =	vmul.f32 $5.000000000e-01, v5;
	v5 =	vmul.f32 $5.000000000e-01, v14;
	v12 =	vadd.f32 v62, v13  }
0xb3: {  	s25 =	simm.s32 $0x0;
	s26 =	simm.s32 $0x800;
	[tilespmem:s2+$0x30] =	vst v51;
	v10 =	vmul.f32 $5.000000000e-01, v10;
	v13 =	vadd.f32 v11, v15;
	v9 =	vld [tilespmem:s0+$0x20];
	v11 =	vmul.f32 $5.000000000e-01, v63  }
.LBB2_2:
0xb4: {  	v14 =	vld [tilespmem:s26+$0xFFFFFE70];
	[tilespmem:s2+$0xFFFFFFC0] =	vst v12;
	v2 =	vadd.f32 v7, v2  }
0xb5: {  	s25 =	sadd.s32 $0x8, s25;
	v7 =	vld [tilespmem:s26+$0xFFFFFEF0];
	[tilespmem:s2+$0xFFFFFFD0] =	vst v13;
	v3 =	vadd.f32 v8, v3  }
0xb6: {  	p0 =	slt.u32 s25, $0xF8;
	v8 =	vld [tilespmem:s26+$0xFFFFFE80];
	[tilespmem:s2+$0xFFFFFFE0] =	vst v2;
	v2 =	vadd.f32 v5, v4  }
0xb7: {  	v4 =	vld [tilespmem:s26+$0xFFFFFF70];
	[tilespmem:s2+$0xFFFFFFF0] =	vst v3;
	v3 =	vadd.f32 v10, v6  }
0xb8: {  	v5 =	vld [tilespmem:s26+$0xFFFFFE10];
	[tilespmem:s2+$0x0] =	vst v2;
	v2 =	vadd.f32 v11, v9  }
0xb9: {  	v6 =	vld [tilespmem:s26+$0xFFFFFFF0];
	[tilespmem:s2+$0x10] =	vst v3  }
0xba: {  	v3 =	vld [tilespmem:s26+$0xFFFFFE90];
	v7 =	vadd.f32 v7, v14;
	[tilespmem:s2+$0x20] =	vst v2  }
0xbb: {  	v2 =	vld [tilespmem:s26+$0x70]  }
0xbc: {  	v9 =	vld [tilespmem:s26+$0xFFFFFE20];
	v4 =	vadd.f32 v4, v7  }
0xbd: {  	v7 =	vld [tilespmem:s26+$0xF0]  }
0xbe: {  	v10 =	vld [tilespmem:s26+$0xFFFFFEA0];
	v4 =	vadd.f32 v6, v4  }
0xbf: {  	v3 =	vadd.f32 v3, v5;
	v5 =	vld [tilespmem:s26+$0x170]  }
0xc0: {  	v6 =	vld [tilespmem:s26+$0xFFFFFE30];
	v2 =	vadd.f32 v2, v4  }
0xc1: {  	v4 =	vld [tilespmem:s26+$0x1F0]  }
0xc2: {  	v11 =	vld [tilespmem:s26+$0xFFFFFEB0];
	v2 =	vadd.f32 v7, v2  }
0xc3: {  	v7 =	vadd.f32 v10, v9;
	v9 =	vld [tilespmem:s26+$0xFFFFFE40]  }
0xc4: {  	s0 =	sadd.s32 $0x200, s0;
	v10 =	vld [tilespmem:s26+$0xFFFFFEC0];
	v2 =	vadd.f32 v5, v2  }
0xc5: {  	v5 =	vld [tilespmem:s0+$0x30]  }
0xc6: {  	v12 =	vld [tilespmem:s26+$0xFFFFFE50];
	v2 =	vadd.f32 v4, v2  }
0xc7: {  	v4 =	vadd.f32 v11, v6;
	v6 =	vld [tilespmem:s26+$0xFFFFFED0]  }
0xc8: {  	v11 =	vld [tilespmem:s26+$0xFFFFFE60];
	v2 =	vmul.f32 $5.000000000e-01, v2  }
0xc9: {  	v9 =	vadd.f32 v10, v9;
	v10 =	vld [tilespmem:s26+$0xFFFFFEE0]  }
0xca: {  	v13 =	vld [tilespmem:s26+$0xFFFFFE00];
	v2 =	vadd.f32 v2, v5  }
0xcb: {  	s2 =	sadd.s32 $0x200, s2;
	v5 =	vld [tilespmem:s26+$0xFFFFFF00]  }
0xcc: {  	v14 =	vld [tilespmem:s26+$0xFFFFFF10];
	v6 =	vadd.f32 v6, v12;
	[tilespmem:s2+$0x30] =	vst v2  }
0xcd: {  	v2 =	vld [tilespmem:s26+$0xFFFFFF20]  }
0xce: {  	v12 =	vld [tilespmem:s26+$0xFFFFFF30];
	v10 =	vadd.f32 v10, v11  }
0xcf: {  	v8 =	vadd.f32 v8, v13;
	v11 =	vld [tilespmem:s26+$0xFFFFFF40]  }
0xd0: {  	v13 =	vld [tilespmem:s26+$0xFFFFFF50]  }
0xd1: {  	v5 =	vadd.f32 v5, v8;
	v3 =	vadd.f32 v14, v3;
	v8 =	vld [tilespmem:s26+$0xFFFFFF60]  }
0xd2: {  	v14 =	vld [tilespmem:s26+$0xFFFFFF80];
	v2 =	vadd.f32 v2, v7  }
0xd3: {  	v7 =	vld [tilespmem:s26+$0xFFFFFF90];
	v4 =	vadd.f32 v12, v4  }
0xd4: {  	v12 =	vld [tilespmem:s26+$0xFFFFFFA0];
	v9 =	vadd.f32 v11, v9  }
0xd5: {  	v11 =	vld [tilespmem:s26+$0xFFFFFFB0];
	v6 =	vadd.f32 v13, v6  }
0xd6: {  	v13 =	vld [tilespmem:s26+$0xFFFFFFC0];
	v8 =	vadd.f32 v8, v10  }
0xd7: {  	v5 =	vadd.f32 v14, v5;
	v10 =	vld [tilespmem:s26+$0xFFFFFFD0]  }
0xd8: {  	v3 =	vadd.f32 v7, v3;
	v7 =	vld [tilespmem:s26+$0xFFFFFFE0]  }
0xd9: {  	v14 =	vld [tilespmem:s26+$0x0];
	v2 =	vadd.f32 v12, v2  }
0xda: {  	v12 =	vld [tilespmem:s26+$0x10];
	v4 =	vadd.f32 v11, v4  }
0xdb: {  	v11 =	vld [tilespmem:s26+$0x20];
	v9 =	vadd.f32 v13, v9  }
0xdc: {  	v13 =	vld [tilespmem:s26+$0x30];
	v6 =	vadd.f32 v10, v6  }
0xdd: {  	v10 =	vld [tilespmem:s26+$0x40];
	v7 =	vadd.f32 v7, v8  }
0xde: {  	v5 =	vadd.f32 v14, v5;
	v8 =	vld [tilespmem:s26+$0x50]  }
0xdf: {  	v3 =	vadd.f32 v12, v3;
	v12 =	vld [tilespmem:s26+$0x60]  }
0xe0: {  	v14 =	vld [tilespmem:s26+$0x80];
	v2 =	vadd.f32 v11, v2  }
0xe1: {  	v11 =	vld [tilespmem:s26+$0x90];
	v4 =	vadd.f32 v13, v4  }
0xe2: {  	v13 =	vld [tilespmem:s26+$0xA0];
	v9 =	vadd.f32 v10, v9  }
0xe3: {  	v10 =	vld [tilespmem:s26+$0xB0];
	v6 =	vadd.f32 v8, v6  }
0xe4: {  	v8 =	vld [tilespmem:s26+$0xC0];
	v7 =	vadd.f32 v12, v7  }
0xe5: {  	v5 =	vadd.f32 v14, v5;
	v12 =	vld [tilespmem:s26+$0xD0]  }
0xe6: {  	v3 =	vadd.f32 v11, v3;
	v11 =	vld [tilespmem:s26+$0xE0]  }
0xe7: {  	v14 =	vld [tilespmem:s26+$0x100];
	v2 =	vadd.f32 v13, v2  }
0xe8: {  	v13 =	vld [tilespmem:s26+$0x110];
	v4 =	vadd.f32 v10, v4  }
0xe9: {  	v10 =	vld [tilespmem:s26+$0x120];
	v8 =	vadd.f32 v8, v9  }
0xea: {  	v9 =	vld [tilespmem:s26+$0x130];
	v6 =	vadd.f32 v12, v6  }
0xeb: {  	v12 =	vld [tilespmem:s26+$0x140];
	v7 =	vadd.f32 v11, v7  }
0xec: {  	v5 =	vadd.f32 v14, v5;
	v11 =	vld [tilespmem:s26+$0x150]  }
0xed: {  	v3 =	vadd.f32 v13, v3;
	v13 =	vld [tilespmem:s26+$0x160]  }
0xee: {  	v14 =	vld [tilespmem:s26+$0x180];
	v2 =	vadd.f32 v10, v2  }
0xef: {  	v10 =	vld [tilespmem:s26+$0x190];
	v4 =	vadd.f32 v9, v4  }
0xf0: {  	v9 =	vld [tilespmem:s26+$0x1A0];
	v8 =	vadd.f32 v12, v8  }
0xf1: {  	v12 =	vld [tilespmem:s26+$0x1B0];
	v6 =	vadd.f32 v11, v6  }
0xf2: {  	v11 =	vld [tilespmem:s26+$0x1C0];
	v13 =	vadd.f32 v13, v7  }
0xf3: {  	v5 =	vadd.f32 v14, v5;
	v14 =	vld [tilespmem:s26+$0x1D0]  }
0xf4: {  	v3 =	vadd.f32 v10, v3;
	v10 =	vld [tilespmem:s26+$0x1E0]  }
0xf5: {  	v15 =	vld [tilespmem:s0+$0xFFFFFFC0];
	v16 =	vmul.f32 $5.000000000e-01, v5;
	v5 =	vadd.f32 v9, v2  }
0xf6: {  	v9 =	vld [tilespmem:s0+$0xFFFFFFD0];
	v17 =	vmul.f32 $5.000000000e-01, v3;
	v4 =	vadd.f32 v12, v4  }
.Ltmp0:
0xf7: {  	v2 =	vld [tilespmem:s0+$0xFFFFFFE0];
	v7 =	vmul.f32 $5.000000000e-01, v5;
	v5 =	vadd.f32 v11, v8;
	(pc) =	sbr.rel @p0 .LBB2_2-.Ltmp0, $4  }
0xf8: {  	v3 =	vld [tilespmem:s0+$0xFFFFFFF0];
	v8 =	vmul.f32 $5.000000000e-01, v4;
	v11 =	vadd.f32 v14, v6  }
0xf9: {  	v4 =	vld [tilespmem:s0+$0x0];
	v5 =	vmul.f32 $5.000000000e-01, v5;
	v14 =	vadd.f32 v10, v13  }
0xfa: {  	v12 =	vadd.f32 v16, v15;
	v6 =	vld [tilespmem:s0+$0x10];
	v10 =	vmul.f32 $5.000000000e-01, v11  }
0xfb: {  	s26 =	sadd.s32 $0x400, s26;
	v13 =	vadd.f32 v17, v9;
	v9 =	vld [tilespmem:s0+$0x20];
	v11 =	vmul.f32 $5.000000000e-01, v14  }
0xfc: {  	[tilespmem:s2+$0xFFFFFFC0] =	vst v12;
	v2 =	vadd.f32 v7, v2  }
0xfd: {  	[tilespmem:s2+$0xFFFFFFD0] =	vst v13;
	v3 =	vadd.f32 v8, v3  }
0xfe: {  	[tilespmem:s2+$0xFFFFFFE0] =	vst v2;
	v2 =	vadd.f32 v5, v4  }
0xff: {  	[tilespmem:s2+$0xFFFFFFF0] =	vst v3;
	v3 =	vadd.f32 v10, v6  }
0x100: {  	[tilespmem:s2+$0x0] =	vst v2;
	v2 =	vadd.f32 v11, v9  }
0x101: {  	[tilespmem:s2+$0x10] =	vst v3  }
0x102: {  	[tilespmem:s2+$0x20] =	vst v2  }
0x103: {  	v2 =	vld.msk [tilespmem:$0x100], $0xff;
	_ =	sdelay $0x4  }
0x104: {  	v3 =	vshll.u32 v2, $0x5  }
0x105: {  	v2 =	vand.u32 $0x7, v2;
	v3 =	vand.u32 $0xFFFFFF00, v3  }
0x106: {  	v2 =	vor.u32 v2, v3  }
0x107: {  	v2 =	vperm.xlane v2, v0;
	_ =	sdelay $0x1  }
0x108: {  	v2 =	vadd.s32 v1, v2;
	_ =	sdelay $0x4  }
0x109: {  	[tilespmem:s24], [sflag:$0x1] =	stream.indirect_vreg.gather [hbm4b:s1+s3], $0x80, v2, vm0, $0xb8;
	[tilespmem:$0x18200] =	vst v63  }
0x10a: {  	s0 =	simm.s32 $0xA00  }
0x10b: {  	[tilespmem:s0], [sflag:$0x1] =	stream.indirect_vreg.gather [hbm4b:s6+s3], $0x80, v2, vm0, $0xb8;
	[tilespmem:$0x18200] =	vst v63  }
0x10c: {  	s2 =	simm.s32 $0x1200  }
0x10d: {  	[tilespmem:s2], [sflag:$0x1] =	stream.indirect_vreg.gather [hbm4b:s7+s3], $0x80, v2, vm0, $0xb8;
	[tilespmem:$0x18200] =	vst v63  }
0x10e: {  	s25 =	simm.s32 $0x1A00  }
0x10f: {  	[tilespmem:s25], [sflag:$0x1] =	stream.indirect_vreg.gather [hbm4b:s8+s3], $0x80, v2, vm0, $0xb8;
	[tilespmem:$0x18200] =	vst v63  }
0x110: {  	s26 =	simm.s32 $0x2200  }
0x111: {  	[tilespmem:s26], [sflag:$0x1] =	stream.indirect_vreg.gather [hbm4b:s9+s3], $0x80, v2, vm0, $0xb8;
	[tilespmem:$0x18200] =	vst v63  }
0x112: {  	s2 =	simm.s32 $0x2A00  }
0x113: {  	[tilespmem:s2], [sflag:$0x1] =	stream.indirect_vreg.gather [hbm4b:s10+s3], $0x80, v2, vm0, $0xb8;
	[tilespmem:$0x18200] =	vst v63  }
0x114: {  	s25 =	simm.s32 $0x3200  }
0x115: {  	[tilespmem:s25], [sflag:$0x1] =	stream.indirect_vreg.gather [hbm4b:s11+s3], $0x80, v2, vm0, $0xb8;
	[tilespmem:$0x18200] =	vst v63  }
0x116: {  	s26 =	simm.s32 $0x3A00  }
0x117: {  	[tilespmem:s26], [sflag:$0x1] =	stream.indirect_vreg.gather [hbm4b:s12+s3], $0x80, v2, vm0, $0xb8;
	[tilespmem:$0x18200] =	vst v63  }
0x118: {  	s2 =	simm.s32 $0x4200  }
0x119: {  	[tilespmem:s2], [sflag:$0x1] =	stream.indirect_vreg.gather [hbm4b:s13+s3], $0x80, v2, vm0, $0xb8;
	[tilespmem:$0x18200] =	vst v63  }
0x11a: {  	s25 =	simm.s32 $0x4A00  }
0x11b: {  	[tilespmem:s25], [sflag:$0x1] =	stream.indirect_vreg.gather [hbm4b:s14+s3], $0x80, v2, vm0, $0xb8;
	[tilespmem:$0x18200] =	vst v63  }
0x11c: {  	s26 =	simm.s32 $0x5200  }
0x11d: {  	[tilespmem:s26], [sflag:$0x1] =	stream.indirect_vreg.gather [hbm4b:s15+s3], $0x80, v2, vm0, $0xb8;
	[tilespmem:$0x18200] =	vst v63  }
0x11e: {  	s2 =	simm.s32 $0x5A00  }
0x11f: {  	[tilespmem:s2], [sflag:$0x1] =	stream.indirect_vreg.gather [hbm4b:s16+s3], $0x80, v2, vm0, $0xb8;
	[tilespmem:$0x18200] =	vst v63  }
0x120: {  	s25 =	simm.s32 $0x6200  }
0x121: {  	[tilespmem:s25], [sflag:$0x1] =	stream.indirect_vreg.gather [hbm4b:s17+s3], $0x80, v2, vm0, $0xb8;
	[tilespmem:$0x18200] =	vst v63  }
0x122: {  	s26 =	simm.s32 $0x6A00  }
0x123: {  	[tilespmem:s26], [sflag:$0x1] =	stream.indirect_vreg.gather [hbm4b:s18+s3], $0x80, v2, vm0, $0xb8;
	[tilespmem:$0x18200] =	vst v63  }
0x124: {  	s2 =	simm.s32 $0x7200  }
0x125: {  	[tilespmem:s2], [sflag:$0x1] =	stream.indirect_vreg.gather [hbm4b:s19+s3], $0x80, v2, vm0, $0xb8;
	[tilespmem:$0x18200] =	vst v63  }
0x126: {  	s25 =	simm.s32 $0x7A00  }
0x127: {  	[tilespmem:s25], [sflag:$0x1] =	stream.indirect_vreg.gather [hbm4b:s20+s3], $0x80, v2, vm0, $0xb8;
	[tilespmem:$0x18200] =	vst v63  }
0x128: {  	_ =	swait.ge [sflag:s5], $0x8000  }
0x129: {  	[sflag:s5] =	ssyncset.done $0x0  }
0x12a: {  	s26 =	simm.s32 $0x8200;
	[sflag:s5] =	ssyncadd.s32 $0xFFFF8000  }
0x12b: {  	v2 =	vld [tilespmem:s26+$0x70]  }
0x12c: {  	v3 =	vld [tilespmem:s26+$0xF0]  }
0x12d: {  	v4 =	vld [tilespmem:s26+$0x80]  }
0x12e: {  	v5 =	vld [tilespmem:s26+$0x170]  }
0x12f: {  	v6 =	vld [tilespmem:s26+$0x10]  }
0x130: {  	v7 =	vld [tilespmem:s26+$0x1F0]  }
0x131: {  	v8 =	vld [tilespmem:s26+$0x90]  }
0x132: {  	v9 =	vld [tilespmem:s26+$0x270]  }
0x133: {  	v10 =	vld [tilespmem:s26+$0x20]  }
0x134: {  	v11 =	vld [tilespmem:s26+$0x2F0]  }
0x135: {  	v12 =	vld [tilespmem:s26+$0xA0]  }
0x136: {  	v13 =	vld [tilespmem:s26+$0x370]  }
0x137: {  	v14 =	vld [tilespmem:s26+$0x30]  }
0x138: {  	v15 =	vld [tilespmem:s26+$0x3F0]  }
0x139: {  	v16 =	vld [tilespmem:s26+$0xB0]  }
0x13a: {  	v17 =	vld [tilespmem:s26+$0x40]  }
0x13b: {  	s0 =	simm.s32 $0x102F0;
	v18 =	vld [tilespmem:s26+$0xC0]  }
0x13c: {  	v19 =	vld [tilespmem:s0+$0x0]  }
0x13d: {  	v20 =	vld [tilespmem:s26+$0x50]  }
0x13e: {  	v21 =	vld [tilespmem:s26+$0xD0]  }
0x13f: {  	v22 =	vld [tilespmem:s26+$0x60]  }
0x140: {  	v23 =	vld [tilespmem:s26+$0xE0]  }
0x141: {  	v24 =	vld [tilespmem:s26+$0x0]  }
0x142: {  	v25 =	vld [tilespmem:s26+$0x100]  }
0x143: {  	v26 =	vld [tilespmem:s26+$0x110]  }
0x144: {  	v27 =	vld [tilespmem:s26+$0x120]  }
0x145: {  	v28 =	vld [tilespmem:s26+$0x130]  }
0x146: {  	v29 =	vld [tilespmem:s26+$0x140]  }
0x147: {  	v30 =	vld [tilespmem:s26+$0x150]  }
0x148: {  	v31 =	vld [tilespmem:s26+$0x160]  }
0x149: {  	v32 =	vld [tilespmem:s26+$0x180]  }
0x14a: {  	v33 =	vld [tilespmem:s26+$0x1A0]  }
0x14b: {  	v34 =	vld [tilespmem:s26+$0x1C0]  }
0x14c: {  	v35 =	vld [tilespmem:s26+$0x1E0]  }
0x14d: {  	v36 =	vld [tilespmem:s26+$0x210]  }
0x14e: {  	v37 =	vld [tilespmem:s26+$0x230]  }
0x14f: {  	v38 =	vld [tilespmem:s26+$0x250]  }
0x150: {  	v50 =	vld [tilespmem:s26+$0x2A0]  }
0x151: {  	v52 =	vld [tilespmem:s26+$0x2B0]  }
0x152: {  	v54 =	vld [tilespmem:s26+$0x2C0];
	v2 =	vadd.f32 v3, v2  }
0x153: {  	v55 =	vld [tilespmem:s26+$0x2D0]  }
0x154: {  	v56 =	vld [tilespmem:s26+$0x2E0];
	v2 =	vadd.f32 v5, v2  }
0x155: {  	v57 =	vld [tilespmem:s26+$0x300];
	v6 =	vadd.f32 v8, v6  }
0x156: {  	v58 =	vld [tilespmem:s26+$0x360];
	v10 =	vadd.f32 v12, v10;
	v2 =	vadd.f32 v7, v2  }
0x157: {  	v59 =	vld [tilespmem:s26+$0x380];
	v12 =	vadd.f32 v16, v14;
	v4 =	vadd.f32 v4, v24  }
0x158: {  	v3 =	vld [tilespmem:s26+$0x190];
	v49 =	vadd.f32 v18, v17;
	v2 =	vadd.f32 v9, v2  }
0x159: {  	v53 =	vadd.f32 v23, v22;
	v5 =	vld [tilespmem:s26+$0x1B0];
	v4 =	vadd.f32 v25, v4  }
0x15a: {  	v60 =	vld [tilespmem:s26+$0x3B0];
	v6 =	vadd.f32 v26, v6;
	v2 =	vadd.f32 v11, v2  }
0x15b: {  	v14 =	vld [tilespmem:s26+$0x290];
	v10 =	vadd.f32 v27, v10;
	v12 =	vadd.f32 v28, v12  }
0x15c: {  	v16 =	vadd.f32 v29, v49;
	v9 =	vld [tilespmem:s26+$0x200];
	v2 =	vadd.f32 v13, v2  }
0x15d: {  	v61 =	vld [tilespmem:s26+$0x3C0];
	v4 =	vadd.f32 v32, v4;
	v3 =	vadd.f32 v3, v6  }
0x15e: {  	v6 =	vld [tilespmem:s26+$0x310];
	v5 =	vadd.f32 v5, v12;
	v2 =	vadd.f32 v15, v2  }
0x15f: {  	v8 =	vld [tilespmem:s26+$0x280];
	v10 =	vadd.f32 v33, v10;
	v3 =	vadd.f32 v36, v3  }
0x160: {  	v16 =	vadd.f32 v34, v16;
	v11 =	vld [tilespmem:s26+$0x220];
	v5 =	vadd.f32 v37, v5;
	v2 =	vmul.f32 $5.000000000e-01, v2  }
0x161: {  	v7 =	vld [tilespmem:s26+$0x1D0];
	v3 =	vadd.f32 v14, v3;
	v4 =	vadd.f32 v9, v4  }
0x162: {  	v13 =	vld [tilespmem:s26+$0x240];
	v51 =	vadd.f32 v2, v19;
	v2 =	vadd.f32 v21, v20  }
0x163: {  	v5 =	vadd.f32 v52, v5;
	v3 =	vadd.f32 v6, v3;
	v15 =	vld [tilespmem:s26+$0x260]  }
0x164: {  	v12 =	vld [tilespmem:s26+$0x320];
	v20 =	vadd.f32 v31, v53;
	v2 =	vadd.f32 v30, v2  }
0x165: {  	v9 =	vld [tilespmem:s26+$0x340];
	v10 =	vadd.f32 v11, v10;
	v4 =	vadd.f32 v8, v4  }
0x166: {  	v20 =	vadd.f32 v35, v20;
	v2 =	vadd.f32 v7, v2;
	v7 =	vld [tilespmem:s26+$0x330]  }
0x167: {  	v14 =	vld [tilespmem:s26+$0x3A0];
	v13 =	vadd.f32 v13, v16;
	v10 =	vadd.f32 v50, v10  }
0x168: {  	v11 =	vld [tilespmem:s26+$0x350];
	v4 =	vadd.f32 v57, v4;
	v15 =	vadd.f32 v15, v20  }
0x169: {  	v8 =	vld [tilespmem:s26+$0x390];
	v13 =	vadd.f32 v54, v13;
	v6 =	vadd.f32 v12, v10  }
0x16a: {  	v10 =	vld [tilespmem:s26+$0x3D0];
	v2 =	vadd.f32 v38, v2;
	v15 =	vadd.f32 v56, v15  }
0x16b: {  	v5 =	vadd.f32 v7, v5;
	v7 =	vadd.f32 v9, v13;
	v9 =	vld [tilespmem:s26+$0x3E0]  }
0x16c: {  	v4 =	vadd.f32 v59, v4;
	v2 =	vadd.f32 v55, v2;
	v13 =	vld [tilespmem:s0+$0xFFFFFF90]  }
0x16d: {  	v6 =	vadd.f32 v14, v6;
	v12 =	vadd.f32 v58, v15;
	v15 =	vld [tilespmem:s0+$0xFFFFFFA0]  }
0x16e: {  	v8 =	vadd.f32 v8, v3;
	v62 =	vmul.f32 $5.000000000e-01, v4;
	v11 =	vadd.f32 v11, v2;
	v2 =	vld [tilespmem:s0+$0xFFFFFFB0]  }
0x16f: {  	v3 =	vld [tilespmem:s0+$0xFFFFFFC0];
	v5 =	vadd.f32 v60, v5;
	v14 =	vadd.f32 v61, v7;
	v7 =	vmul.f32 $5.000000000e-01, v6  }
0x170: {  	v4 =	vld [tilespmem:s0+$0xFFFFFFD0];
	v10 =	vadd.f32 v10, v11;
	v11 =	vmul.f32 $5.000000000e-01, v8;
	v63 =	vadd.f32 v9, v12  }
0x171: {  	s2 =	simm.s32 $0x142F0;
	v6 =	vld [tilespmem:s0+$0xFFFFFFE0];
	v8 =	vmul.f32 $5.000000000e-01, v5;
	v5 =	vmul.f32 $5.000000000e-01, v14;
	v12 =	vadd.f32 v62, v13  }
0x172: {  	s25 =	simm.s32 $0x0;
	[tilespmem:s2+$0x0] =	vst v51;
	s26 =	simm.s32 $0x8600;
	v10 =	vmul.f32 $5.000000000e-01, v10;
	v13 =	vadd.f32 v11, v15;
	v9 =	vld [tilespmem:s0+$0xFFFFFFF0];
	v11 =	vmul.f32 $5.000000000e-01, v63  }
.LBB2_4:
0x173: {  	v14 =	vld [tilespmem:s26+$0x70];
	[tilespmem:s2+$0xFFFFFF90] =	vst v12;
	v2 =	vadd.f32 v7, v2  }
0x174: {  	s25 =	sadd.s32 $0x8, s25;
	v7 =	vld [tilespmem:s26+$0xF0];
	[tilespmem:s2+$0xFFFFFFA0] =	vst v13;
	v3 =	vadd.f32 v8, v3  }
0x175: {  	p0 =	slt.u32 s25, $0xF8;
	v8 =	vld [tilespmem:s26+$0x80];
	[tilespmem:s2+$0xFFFFFFB0] =	vst v2;
	v2 =	vadd.f32 v5, v4  }
0x176: {  	v4 =	vld [tilespmem:s26+$0x170];
	[tilespmem:s2+$0xFFFFFFC0] =	vst v3;
	v3 =	vadd.f32 v10, v6  }
0x177: {  	v5 =	vld [tilespmem:s26+$0x10];
	[tilespmem:s2+$0xFFFFFFD0] =	vst v2;
	v2 =	vadd.f32 v11, v9  }
0x178: {  	v6 =	vld [tilespmem:s26+$0x1F0];
	[tilespmem:s2+$0xFFFFFFE0] =	vst v3  }
0x179: {  	v3 =	vld [tilespmem:s26+$0x90];
	v7 =	vadd.f32 v7, v14;
	[tilespmem:s2+$0xFFFFFFF0] =	vst v2  }
0x17a: {  	v2 =	vld [tilespmem:s26+$0x270]  }
0x17b: {  	v9 =	vld [tilespmem:s26+$0x20];
	v4 =	vadd.f32 v4, v7  }
0x17c: {  	v7 =	vld [tilespmem:s26+$0x2F0]  }
0x17d: {  	v10 =	vld [tilespmem:s26+$0xA0];
	v4 =	vadd.f32 v6, v4  }
0x17e: {  	v3 =	vadd.f32 v3, v5;
	v5 =	vld [tilespmem:s26+$0x370]  }
0x17f: {  	v6 =	vld [tilespmem:s26+$0x30];
	v2 =	vadd.f32 v2, v4  }
0x180: {  	v4 =	vld [tilespmem:s26+$0x3F0]  }
0x181: {  	v11 =	vld [tilespmem:s26+$0xB0];
	v2 =	vadd.f32 v7, v2  }
0x182: {  	v7 =	vadd.f32 v10, v9;
	v9 =	vld [tilespmem:s26+$0x40]  }
0x183: {  	s0 =	sadd.s32 $0x200, s0;
	v10 =	vld [tilespmem:s26+$0xC0];
	v2 =	vadd.f32 v5, v2  }
0x184: {  	v5 =	vld [tilespmem:s0+$0x0]  }
0x185: {  	v12 =	vld [tilespmem:s26+$0x50];
	v2 =	vadd.f32 v4, v2  }
0x186: {  	v4 =	vadd.f32 v11, v6;
	v6 =	vld [tilespmem:s26+$0xD0]  }
0x187: {  	v11 =	vld [tilespmem:s26+$0x60];
	v2 =	vmul.f32 $5.000000000e-01, v2  }
0x188: {  	v9 =	vadd.f32 v10, v9;
	v10 =	vld [tilespmem:s26+$0xE0]  }
0x189: {  	v13 =	vld [tilespmem:s26+$0x0];
	v2 =	vadd.f32 v2, v5  }
0x18a: {  	s2 =	sadd.s32 $0x200, s2;
	v5 =	vld [tilespmem:s26+$0x100]  }
0x18b: {  	v14 =	vld [tilespmem:s26+$0x110];
	v6 =	vadd.f32 v6, v12;
	[tilespmem:s2+$0x0] =	vst v2  }
0x18c: {  	v2 =	vld [tilespmem:s26+$0x120]  }
0x18d: {  	v12 =	vld [tilespmem:s26+$0x130];
	v10 =	vadd.f32 v10, v11  }
0x18e: {  	v8 =	vadd.f32 v8, v13;
	v11 =	vld [tilespmem:s26+$0x140]  }
0x18f: {  	v13 =	vld [tilespmem:s26+$0x150]  }
0x190: {  	v5 =	vadd.f32 v5, v8;
	v3 =	vadd.f32 v14, v3;
	v8 =	vld [tilespmem:s26+$0x160]  }
0x191: {  	v14 =	vld [tilespmem:s26+$0x180];
	v2 =	vadd.f32 v2, v7  }
0x192: {  	v7 =	vld [tilespmem:s26+$0x190];
	v4 =	vadd.f32 v12, v4  }
0x193: {  	v12 =	vld [tilespmem:s26+$0x1A0];
	v9 =	vadd.f32 v11, v9  }
0x194: {  	v11 =	vld [tilespmem:s26+$0x1B0];
	v6 =	vadd.f32 v13, v6  }
0x195: {  	v13 =	vld [tilespmem:s26+$0x1C0];
	v8 =	vadd.f32 v8, v10  }
0x196: {  	v5 =	vadd.f32 v14, v5;
	v10 =	vld [tilespmem:s26+$0x1D0]  }
0x197: {  	v3 =	vadd.f32 v7, v3;
	v7 =	vld [tilespmem:s26+$0x1E0]  }
0x198: {  	v14 =	vld [tilespmem:s26+$0x200];
	v2 =	vadd.f32 v12, v2  }
0x199: {  	v12 =	vld [tilespmem:s26+$0x210];
	v4 =	vadd.f32 v11, v4  }
0x19a: {  	v11 =	vld [tilespmem:s26+$0x220];
	v9 =	vadd.f32 v13, v9  }
0x19b: {  	v13 =	vld [tilespmem:s26+$0x230];
	v6 =	vadd.f32 v10, v6  }
0x19c: {  	v10 =	vld [tilespmem:s26+$0x240];
	v7 =	vadd.f32 v7, v8  }
0x19d: {  	v5 =	vadd.f32 v14, v5;
	v8 =	vld [tilespmem:s26+$0x250]  }
0x19e: {  	v3 =	vadd.f32 v12, v3;
	v12 =	vld [tilespmem:s26+$0x260]  }
0x19f: {  	v14 =	vld [tilespmem:s26+$0x280];
	v2 =	vadd.f32 v11, v2  }
0x1a0: {  	v11 =	vld [tilespmem:s26+$0x290];
	v4 =	vadd.f32 v13, v4  }
0x1a1: {  	v13 =	vld [tilespmem:s26+$0x2A0];
	v9 =	vadd.f32 v10, v9  }
0x1a2: {  	v10 =	vld [tilespmem:s26+$0x2B0];
	v6 =	vadd.f32 v8, v6  }
0x1a3: {  	v8 =	vld [tilespmem:s26+$0x2C0];
	v7 =	vadd.f32 v12, v7  }
0x1a4: {  	v5 =	vadd.f32 v14, v5;
	v12 =	vld [tilespmem:s26+$0x2D0]  }
0x1a5: {  	v3 =	vadd.f32 v11, v3;
	v11 =	vld [tilespmem:s26+$0x2E0]  }
0x1a6: {  	v14 =	vld [tilespmem:s26+$0x300];
	v2 =	vadd.f32 v13, v2  }
0x1a7: {  	v13 =	vld [tilespmem:s26+$0x310];
	v4 =	vadd.f32 v10, v4  }
0x1a8: {  	v10 =	vld [tilespmem:s26+$0x320];
	v8 =	vadd.f32 v8, v9  }
0x1a9: {  	v9 =	vld [tilespmem:s26+$0x330];
	v6 =	vadd.f32 v12, v6  }
0x1aa: {  	v12 =	vld [tilespmem:s26+$0x340];
	v7 =	vadd.f32 v11, v7  }
0x1ab: {  	v5 =	vadd.f32 v14, v5;
	v11 =	vld [tilespmem:s26+$0x350]  }
0x1ac: {  	v3 =	vadd.f32 v13, v3;
	v13 =	vld [tilespmem:s26+$0x360]  }
0x1ad: {  	v14 =	vld [tilespmem:s26+$0x380];
	v2 =	vadd.f32 v10, v2  }
0x1ae: {  	v10 =	vld [tilespmem:s26+$0x390];
	v4 =	vadd.f32 v9, v4  }
0x1af: {  	v9 =	vld [tilespmem:s26+$0x3A0];
	v8 =	vadd.f32 v12, v8  }
0x1b0: {  	v12 =	vld [tilespmem:s26+$0x3B0];
	v6 =	vadd.f32 v11, v6  }
0x1b1: {  	v11 =	vld [tilespmem:s26+$0x3C0];
	v13 =	vadd.f32 v13, v7  }
0x1b2: {  	v5 =	vadd.f32 v14, v5;
	v14 =	vld [tilespmem:s26+$0x3D0]  }
0x1b3: {  	v3 =	vadd.f32 v10, v3;
	v10 =	vld [tilespmem:s26+$0x3E0]  }
0x1b4: {  	v15 =	vld [tilespmem:s0+$0xFFFFFF90];
	v16 =	vmul.f32 $5.000000000e-01, v5;
	v5 =	vadd.f32 v9, v2  }
0x1b5: {  	v9 =	vld [tilespmem:s0+$0xFFFFFFA0];
	v17 =	vmul.f32 $5.000000000e-01, v3;
	v4 =	vadd.f32 v12, v4  }
.Ltmp1:
0x1b6: {  	v2 =	vld [tilespmem:s0+$0xFFFFFFB0];
	v7 =	vmul.f32 $5.000000000e-01, v5;
	v5 =	vadd.f32 v11, v8;
	(pc) =	sbr.rel @p0 .LBB2_4-.Ltmp1, $4  }
0x1b7: {  	v3 =	vld [tilespmem:s0+$0xFFFFFFC0];
	v8 =	vmul.f32 $5.000000000e-01, v4;
	v11 =	vadd.f32 v14, v6  }
0x1b8: {  	v4 =	vld [tilespmem:s0+$0xFFFFFFD0];
	v5 =	vmul.f32 $5.000000000e-01, v5;
	v14 =	vadd.f32 v10, v13  }
0x1b9: {  	v12 =	vadd.f32 v16, v15;
	v6 =	vld [tilespmem:s0+$0xFFFFFFE0];
	v10 =	vmul.f32 $5.000000000e-01, v11  }
0x1ba: {  	s26 =	sadd.s32 $0x400, s26;
	v13 =	vadd.f32 v17, v9;
	v9 =	vld [tilespmem:s0+$0xFFFFFFF0];
	v11 =	vmul.f32 $5.000000000e-01, v14  }
0x1bb: {  	[tilespmem:s2+$0xFFFFFF90] =	vst v12;
	v2 =	vadd.f32 v7, v2  }
0x1bc: {  	[tilespmem:s2+$0xFFFFFFA0] =	vst v13;
	v3 =	vadd.f32 v8, v3  }
0x1bd: {  	[tilespmem:s2+$0xFFFFFFB0] =	vst v2;
	v2 =	vadd.f32 v5, v4  }
0x1be: {  	[tilespmem:s2+$0xFFFFFFC0] =	vst v3;
	v3 =	vadd.f32 v10, v6  }
0x1bf: {  	[tilespmem:s2+$0xFFFFFFD0] =	vst v2;
	v2 =	vadd.f32 v11, v9  }
0x1c0: {  	[tilespmem:s2+$0xFFFFFFE0] =	vst v3  }
0x1c1: {  	[tilespmem:s2+$0xFFFFFFF0] =	vst v2  }
0x1c2: {  	v2 =	vld.msk [tilespmem:$0x180], $0xff;
	_ =	sdelay $0x4  }
0x1c3: {  	v3 =	vshll.u32 v2, $0x5  }
0x1c4: {  	v2 =	vand.u32 $0x7, v2;
	v3 =	vand.u32 $0xFFFFFF00, v3  }
0x1c5: {  	v2 =	vor.u32 v2, v3  }
0x1c6: {  	v2 =	vperm.xlane v2, v0;
	_ =	sdelay $0x1  }
0x1c7: {  	v2 =	vadd.s32 v1, v2;
	_ =	sdelay $0x3  }
0x1c8: {  	s0 =	simm.s32 $0x8200  }
0x1c9: {  	[tilespmem:s0], [sflag:$0x2] =	stream.indirect_vreg.gather [hbm4b:s1+s3], $0x80, v2, vm0, $0xb8;
	[tilespmem:$0x18200] =	vst v63  }
0x1ca: {  	s2 =	simm.s32 $0x8A00  }
0x1cb: {  	[tilespmem:s2], [sflag:$0x2] =	stream.indirect_vreg.gather [hbm4b:s6+s3], $0x80, v2, vm0, $0xb8;
	[tilespmem:$0x18200] =	vst v63  }
0x1cc: {  	s25 =	simm.s32 $0x9200  }
0x1cd: {  	[tilespmem:s25], [sflag:$0x2] =	stream.indirect_vreg.gather [hbm4b:s7+s3], $0x80, v2, vm0, $0xb8;
	[tilespmem:$0x18200] =	vst v63  }
0x1ce: {  	s26 =	simm.s32 $0x9A00  }
0x1cf: {  	[tilespmem:s26], [sflag:$0x2] =	stream.indirect_vreg.gather [hbm4b:s8+s3], $0x80, v2, vm0, $0xb8;
	[tilespmem:$0x18200] =	vst v63  }
0x1d0: {  	s2 =	simm.s32 $0xA200  }
0x1d1: {  	[tilespmem:s2], [sflag:$0x2] =	stream.indirect_vreg.gather [hbm4b:s9+s3], $0x80, v2, vm0, $0xb8;
	[tilespmem:$0x18200] =	vst v63  }
0x1d2: {  	s25 =	simm.s32 $0xAA00  }
0x1d3: {  	[tilespmem:s25], [sflag:$0x2] =	stream.indirect_vreg.gather [hbm4b:s10+s3], $0x80, v2, vm0, $0xb8;
	[tilespmem:$0x18200] =	vst v63  }
0x1d4: {  	s26 =	simm.s32 $0xB200  }
0x1d5: {  	[tilespmem:s26], [sflag:$0x2] =	stream.indirect_vreg.gather [hbm4b:s11+s3], $0x80, v2, vm0, $0xb8;
	[tilespmem:$0x18200] =	vst v63  }
0x1d6: {  	s2 =	simm.s32 $0xBA00  }
0x1d7: {  	[tilespmem:s2], [sflag:$0x2] =	stream.indirect_vreg.gather [hbm4b:s12+s3], $0x80, v2, vm0, $0xb8;
	[tilespmem:$0x18200] =	vst v63  }
0x1d8: {  	s25 =	simm.s32 $0xC200  }
0x1d9: {  	[tilespmem:s25], [sflag:$0x2] =	stream.indirect_vreg.gather [hbm4b:s13+s3], $0x80, v2, vm0, $0xb8;
	[tilespmem:$0x18200] =	vst v63  }
0x1da: {  	s26 =	simm.s32 $0xCA00  }
0x1db: {  	[tilespmem:s26], [sflag:$0x2] =	stream.indirect_vreg.gather [hbm4b:s14+s3], $0x80, v2, vm0, $0xb8;
	[tilespmem:$0x18200] =	vst v63  }
0x1dc: {  	s2 =	simm.s32 $0xD200  }
0x1dd: {  	[tilespmem:s2], [sflag:$0x2] =	stream.indirect_vreg.gather [hbm4b:s15+s3], $0x80, v2, vm0, $0xb8;
	[tilespmem:$0x18200] =	vst v63  }
0x1de: {  	s25 =	simm.s32 $0xDA00  }
0x1df: {  	[tilespmem:s25], [sflag:$0x2] =	stream.indirect_vreg.gather [hbm4b:s16+s3], $0x80, v2, vm0, $0xb8;
	[tilespmem:$0x18200] =	vst v63  }
0x1e0: {  	_ = 	snop  }
0x1e1: {  	[tilespmem:s28], [sflag:$0x2] =	stream.indirect_vreg.gather [hbm4b:s17+s3], $0x80, v2, vm0, $0xb8;
	[tilespmem:$0x18200] =	vst v63  }
0x1e2: {  	_ = 	snop  }
0x1e3: {  	[tilespmem:s29], [sflag:$0x2] =	stream.indirect_vreg.gather [hbm4b:s18+s3], $0x80, v2, vm0, $0xb8;
	[tilespmem:$0x18200] =	vst v63  }
0x1e4: {  	_ = 	snop  }
0x1e5: {  	[tilespmem:s30], [sflag:$0x2] =	stream.indirect_vreg.gather [hbm4b:s19+s3], $0x80, v2, vm0, $0xb8;
	[tilespmem:$0x18200] =	vst v63  }
0x1e6: {  	_ = 	snop  }
0x1e7: {  	[tilespmem:s21], [sflag:$0x2] =	stream.indirect_vreg.gather [hbm4b:s20+s3], $0x80, v2, vm0, $0xb8;
	[tilespmem:$0x18200] =	vst v63  }
0x1e8: {  	_ =	swait.ge [sflag:s31], $0x8000  }
0x1e9: {  	[sflag:s31] =	ssyncset.done $0x0  }
0x1ea: {  	s26 =	simm.s32 $0x400;
	[sflag:s31] =	ssyncadd.s32 $0xFFFF8000  }
0x1eb: {  	v2 =	vld [tilespmem:s26+$0xFFFFFE70]  }
0x1ec: {  	v3 =	vld [tilespmem:s26+$0xFFFFFEF0]  }
0x1ed: {  	v4 =	vld [tilespmem:s26+$0xFFFFFE80]  }
0x1ee: {  	v5 =	vld [tilespmem:s26+$0xFFFFFF70]  }
0x1ef: {  	v6 =	vld [tilespmem:s26+$0xFFFFFE10]  }
0x1f0: {  	v7 =	vld [tilespmem:s26+$0xFFFFFFF0]  }
0x1f1: {  	v8 =	vld [tilespmem:s26+$0xFFFFFE90]  }
0x1f2: {  	v9 =	vld [tilespmem:s26+$0x70]  }
0x1f3: {  	v10 =	vld [tilespmem:s26+$0xFFFFFE20]  }
0x1f4: {  	v11 =	vld [tilespmem:s26+$0xF0]  }
0x1f5: {  	v12 =	vld [tilespmem:s26+$0xFFFFFEA0]  }
0x1f6: {  	v13 =	vld [tilespmem:s26+$0x170]  }
0x1f7: {  	v14 =	vld [tilespmem:s26+$0xFFFFFE30]  }
0x1f8: {  	v15 =	vld [tilespmem:s26+$0x1F0]  }
0x1f9: {  	v16 =	vld [tilespmem:s26+$0xFFFFFEB0]  }
0x1fa: {  	v17 =	vld [tilespmem:s26+$0xFFFFFE40]  }
0x1fb: {  	s0 =	simm.s32 $0x10370;
	v18 =	vld [tilespmem:s26+$0xFFFFFEC0]  }
0x1fc: {  	v19 =	vld [tilespmem:s0+$0x0]  }
0x1fd: {  	v20 =	vld [tilespmem:s26+$0xFFFFFE50]  }
0x1fe: {  	v21 =	vld [tilespmem:s26+$0xFFFFFED0]  }
0x1ff: {  	v22 =	vld [tilespmem:s26+$0xFFFFFE60]  }
0x200: {  	v23 =	vld [tilespmem:s26+$0xFFFFFEE0]  }
0x201: {  	v24 =	vld [tilespmem:s26+$0xFFFFFE00]  }
0x202: {  	v25 =	vld [tilespmem:s26+$0xFFFFFF00]  }
0x203: {  	v26 =	vld [tilespmem:s26+$0xFFFFFF10]  }
0x204: {  	v27 =	vld [tilespmem:s26+$0xFFFFFF20]  }
0x205: {  	v28 =	vld [tilespmem:s26+$0xFFFFFF30]  }
0x206: {  	v29 =	vld [tilespmem:s26+$0xFFFFFF40]  }
0x207: {  	v30 =	vld [tilespmem:s26+$0xFFFFFF50]  }
0x208: {  	v31 =	vld [tilespmem:s26+$0xFFFFFF60]  }
0x209: {  	v32 =	vld [tilespmem:s26+$0xFFFFFF80]  }
0x20a: {  	v33 =	vld [tilespmem:s26+$0xFFFFFFA0]  }
0x20b: {  	v34 =	vld [tilespmem:s26+$0xFFFFFFC0]  }
0x20c: {  	v35 =	vld [tilespmem:s26+$0xFFFFFFE0]  }
0x20d: {  	v36 =	vld [tilespmem:s26+$0x10]  }
0x20e: {  	v37 =	vld [tilespmem:s26+$0x30]  }
0x20f: {  	v38 =	vld [tilespmem:s26+$0x50]  }
0x210: {  	v50 =	vld [tilespmem:s26+$0xA0]  }
0x211: {  	v52 =	vld [tilespmem:s26+$0xB0]  }
0x212: {  	v54 =	vld [tilespmem:s26+$0xC0];
	v2 =	vadd.f32 v3, v2  }
0x213: {  	v55 =	vld [tilespmem:s26+$0xD0]  }
0x214: {  	v56 =	vld [tilespmem:s26+$0xE0];
	v2 =	vadd.f32 v5, v2  }
0x215: {  	v57 =	vld [tilespmem:s26+$0x100];
	v6 =	vadd.f32 v8, v6  }
0x216: {  	v58 =	vld [tilespmem:s26+$0x160];
	v10 =	vadd.f32 v12, v10;
	v2 =	vadd.f32 v7, v2  }
0x217: {  	v59 =	vld [tilespmem:s26+$0x180];
	v12 =	vadd.f32 v16, v14;
	v4 =	vadd.f32 v4, v24  }
0x218: {  	v3 =	vld [tilespmem:s26+$0xFFFFFF90];
	v49 =	vadd.f32 v18, v17;
	v2 =	vadd.f32 v9, v2  }
0x219: {  	v53 =	vadd.f32 v23, v22;
	v5 =	vld [tilespmem:s26+$0xFFFFFFB0];
	v4 =	vadd.f32 v25, v4  }
0x21a: {  	v60 =	vld [tilespmem:s26+$0x1B0];
	v6 =	vadd.f32 v26, v6;
	v2 =	vadd.f32 v11, v2  }
0x21b: {  	v14 =	vld [tilespmem:s26+$0x90];
	v10 =	vadd.f32 v27, v10;
	v12 =	vadd.f32 v28, v12  }
0x21c: {  	v16 =	vadd.f32 v29, v49;
	v9 =	vld [tilespmem:s26+$0x0];
	v2 =	vadd.f32 v13, v2  }
0x21d: {  	v61 =	vld [tilespmem:s26+$0x1C0];
	v4 =	vadd.f32 v32, v4;
	v3 =	vadd.f32 v3, v6  }
0x21e: {  	v6 =	vld [tilespmem:s26+$0x110];
	v5 =	vadd.f32 v5, v12;
	v2 =	vadd.f32 v15, v2  }
0x21f: {  	v8 =	vld [tilespmem:s26+$0x80];
	v10 =	vadd.f32 v33, v10;
	v3 =	vadd.f32 v36, v3  }
0x220: {  	v16 =	vadd.f32 v34, v16;
	v11 =	vld [tilespmem:s26+$0x20];
	v5 =	vadd.f32 v37, v5;
	v2 =	vmul.f32 $5.000000000e-01, v2  }
0x221: {  	v7 =	vld [tilespmem:s26+$0xFFFFFFD0];
	v3 =	vadd.f32 v14, v3;
	v4 =	vadd.f32 v9, v4  }
0x222: {  	v13 =	vld [tilespmem:s26+$0x40];
	v51 =	vadd.f32 v2, v19;
	v2 =	vadd.f32 v21, v20  }
0x223: {  	v5 =	vadd.f32 v52, v5;
	v3 =	vadd.f32 v6, v3;
	v15 =	vld [tilespmem:s26+$0x60]  }
0x224: {  	v12 =	vld [tilespmem:s26+$0x120];
	v20 =	vadd.f32 v31, v53;
	v2 =	vadd.f32 v30, v2  }
0x225: {  	v9 =	vld [tilespmem:s26+$0x140];
	v10 =	vadd.f32 v11, v10;
	v4 =	vadd.f32 v8, v4  }
0x226: {  	v20 =	vadd.f32 v35, v20;
	v2 =	vadd.f32 v7, v2;
	v7 =	vld [tilespmem:s26+$0x130]  }
0x227: {  	v14 =	vld [tilespmem:s26+$0x1A0];
	v13 =	vadd.f32 v13, v16;
	v10 =	vadd.f32 v50, v10  }
0x228: {  	v11 =	vld [tilespmem:s26+$0x150];
	v4 =	vadd.f32 v57, v4;
	v15 =	vadd.f32 v15, v20  }
0x229: {  	v8 =	vld [tilespmem:s26+$0x190];
	v13 =	vadd.f32 v54, v13;
	v6 =	vadd.f32 v12, v10  }
0x22a: {  	v10 =	vld [tilespmem:s26+$0x1D0];
	v2 =	vadd.f32 v38, v2;
	v15 =	vadd.f32 v56, v15  }
0x22b: {  	v5 =	vadd.f32 v7, v5;
	v7 =	vadd.f32 v9, v13;
	v9 =	vld [tilespmem:s26+$0x1E0]  }
0x22c: {  	v4 =	vadd.f32 v59, v4;
	v2 =	vadd.f32 v55, v2;
	v13 =	vld [tilespmem:s0+$0xFFFFFF90]  }
0x22d: {  	v6 =	vadd.f32 v14, v6;
	v12 =	vadd.f32 v58, v15;
	v15 =	vld [tilespmem:s0+$0xFFFFFFA0]  }
0x22e: {  	v8 =	vadd.f32 v8, v3;
	v62 =	vmul.f32 $5.000000000e-01, v4;
	v11 =	vadd.f32 v11, v2;
	v2 =	vld [tilespmem:s0+$0xFFFFFFB0]  }
0x22f: {  	v3 =	vld [tilespmem:s0+$0xFFFFFFC0];
	v5 =	vadd.f32 v60, v5;
	v14 =	vadd.f32 v61, v7;
	v7 =	vmul.f32 $5.000000000e-01, v6  }
0x230: {  	v4 =	vld [tilespmem:s0+$0xFFFFFFD0];
	v10 =	vadd.f32 v10, v11;
	v11 =	vmul.f32 $5.000000000e-01, v8;
	v63 =	vadd.f32 v9, v12  }
0x231: {  	s2 =	simm.s32 $0x14370;
	v6 =	vld [tilespmem:s0+$0xFFFFFFE0];
	v8 =	vmul.f32 $5.000000000e-01, v5;
	v5 =	vmul.f32 $5.000000000e-01, v14;
	v12 =	vadd.f32 v62, v13  }
0x232: {  	s25 =	simm.s32 $0x0;
	[tilespmem:s2+$0x0] =	vst v51;
	s26 =	simm.s32 $0x800;
	v10 =	vmul.f32 $5.000000000e-01, v10;
	v13 =	vadd.f32 v11, v15;
	v9 =	vld [tilespmem:s0+$0xFFFFFFF0];
	v11 =	vmul.f32 $5.000000000e-01, v63  }
.LBB2_6:
0x233: {  	v14 =	vld [tilespmem:s26+$0xFFFFFE70];
	[tilespmem:s2+$0xFFFFFF90] =	vst v12;
	v2 =	vadd.f32 v7, v2  }
0x234: {  	s25 =	sadd.s32 $0x8, s25;
	v7 =	vld [tilespmem:s26+$0xFFFFFEF0];
	[tilespmem:s2+$0xFFFFFFA0] =	vst v13;
	v3 =	vadd.f32 v8, v3  }
0x235: {  	p0 =	slt.u32 s25, $0xF8;
	v8 =	vld [tilespmem:s26+$0xFFFFFE80];
	[tilespmem:s2+$0xFFFFFFB0] =	vst v2;
	v2 =	vadd.f32 v5, v4  }
0x236: {  	v4 =	vld [tilespmem:s26+$0xFFFFFF70];
	[tilespmem:s2+$0xFFFFFFC0] =	vst v3;
	v3 =	vadd.f32 v10, v6  }
0x237: {  	v5 =	vld [tilespmem:s26+$0xFFFFFE10];
	[tilespmem:s2+$0xFFFFFFD0] =	vst v2;
	v2 =	vadd.f32 v11, v9  }
0x238: {  	v6 =	vld [tilespmem:s26+$0xFFFFFFF0];
	[tilespmem:s2+$0xFFFFFFE0] =	vst v3  }
0x239: {  	v3 =	vld [tilespmem:s26+$0xFFFFFE90];
	v7 =	vadd.f32 v7, v14;
	[tilespmem:s2+$0xFFFFFFF0] =	vst v2  }
0x23a: {  	v2 =	vld [tilespmem:s26+$0x70]  }
0x23b: {  	v9 =	vld [tilespmem:s26+$0xFFFFFE20];
	v4 =	vadd.f32 v4, v7  }
0x23c: {  	v7 =	vld [tilespmem:s26+$0xF0]  }
0x23d: {  	v10 =	vld [tilespmem:s26+$0xFFFFFEA0];
	v4 =	vadd.f32 v6, v4  }
0x23e: {  	v3 =	vadd.f32 v3, v5;
	v5 =	vld [tilespmem:s26+$0x170]  }
0x23f: {  	v6 =	vld [tilespmem:s26+$0xFFFFFE30];
	v2 =	vadd.f32 v2, v4  }
0x240: {  	v4 =	vld [tilespmem:s26+$0x1F0]  }
0x241: {  	v11 =	vld [tilespmem:s26+$0xFFFFFEB0];
	v2 =	vadd.f32 v7, v2  }
0x242: {  	v7 =	vadd.f32 v10, v9;
	v9 =	vld [tilespmem:s26+$0xFFFFFE40]  }
0x243: {  	s0 =	sadd.s32 $0x200, s0;
	v10 =	vld [tilespmem:s26+$0xFFFFFEC0];
	v2 =	vadd.f32 v5, v2  }
0x244: {  	v5 =	vld [tilespmem:s0+$0x0]  }
0x245: {  	v12 =	vld [tilespmem:s26+$0xFFFFFE50];
	v2 =	vadd.f32 v4, v2  }
0x246: {  	v4 =	vadd.f32 v11, v6;
	v6 =	vld [tilespmem:s26+$0xFFFFFED0]  }
0x247: {  	v11 =	vld [tilespmem:s26+$0xFFFFFE60];
	v2 =	vmul.f32 $5.000000000e-01, v2  }
0x248: {  	v9 =	vadd.f32 v10, v9;
	v10 =	vld [tilespmem:s26+$0xFFFFFEE0]  }
0x249: {  	v13 =	vld [tilespmem:s26+$0xFFFFFE00];
	v2 =	vadd.f32 v2, v5  }
0x24a: {  	s2 =	sadd.s32 $0x200, s2;
	v5 =	vld [tilespmem:s26+$0xFFFFFF00]  }
0x24b: {  	v14 =	vld [tilespmem:s26+$0xFFFFFF10];
	v6 =	vadd.f32 v6, v12;
	[tilespmem:s2+$0x0] =	vst v2  }
0x24c: {  	v2 =	vld [tilespmem:s26+$0xFFFFFF20]  }
0x24d: {  	v12 =	vld [tilespmem:s26+$0xFFFFFF30];
	v10 =	vadd.f32 v10, v11  }
0x24e: {  	v8 =	vadd.f32 v8, v13;
	v11 =	vld [tilespmem:s26+$0xFFFFFF40]  }
0x24f: {  	v13 =	vld [tilespmem:s26+$0xFFFFFF50]  }
0x250: {  	v5 =	vadd.f32 v5, v8;
	v3 =	vadd.f32 v14, v3;
	v8 =	vld [tilespmem:s26+$0xFFFFFF60]  }
0x251: {  	v14 =	vld [tilespmem:s26+$0xFFFFFF80];
	v2 =	vadd.f32 v2, v7  }
0x252: {  	v7 =	vld [tilespmem:s26+$0xFFFFFF90];
	v4 =	vadd.f32 v12, v4  }
0x253: {  	v12 =	vld [tilespmem:s26+$0xFFFFFFA0];
	v9 =	vadd.f32 v11, v9  }
0x254: {  	v11 =	vld [tilespmem:s26+$0xFFFFFFB0];
	v6 =	vadd.f32 v13, v6  }
0x255: {  	v13 =	vld [tilespmem:s26+$0xFFFFFFC0];
	v8 =	vadd.f32 v8, v10  }
0x256: {  	v5 =	vadd.f32 v14, v5;
	v10 =	vld [tilespmem:s26+$0xFFFFFFD0]  }
0x257: {  	v3 =	vadd.f32 v7, v3;
	v7 =	vld [tilespmem:s26+$0xFFFFFFE0]  }
0x258: {  	v14 =	vld [tilespmem:s26+$0x0];
	v2 =	vadd.f32 v12, v2  }
0x259: {  	v12 =	vld [tilespmem:s26+$0x10];
	v4 =	vadd.f32 v11, v4  }
0x25a: {  	v11 =	vld [tilespmem:s26+$0x20];
	v9 =	vadd.f32 v13, v9  }
0x25b: {  	v13 =	vld [tilespmem:s26+$0x30];
	v6 =	vadd.f32 v10, v6  }
0x25c: {  	v10 =	vld [tilespmem:s26+$0x40];
	v7 =	vadd.f32 v7, v8  }
0x25d: {  	v5 =	vadd.f32 v14, v5;
	v8 =	vld [tilespmem:s26+$0x50]  }
0x25e: {  	v3 =	vadd.f32 v12, v3;
	v12 =	vld [tilespmem:s26+$0x60]  }
0x25f: {  	v14 =	vld [tilespmem:s26+$0x80];
	v2 =	vadd.f32 v11, v2  }
0x260: {  	v11 =	vld [tilespmem:s26+$0x90];
	v4 =	vadd.f32 v13, v4  }
0x261: {  	v13 =	vld [tilespmem:s26+$0xA0];
	v9 =	vadd.f32 v10, v9  }
0x262: {  	v10 =	vld [tilespmem:s26+$0xB0];
	v6 =	vadd.f32 v8, v6  }
0x263: {  	v8 =	vld [tilespmem:s26+$0xC0];
	v7 =	vadd.f32 v12, v7  }
0x264: {  	v5 =	vadd.f32 v14, v5;
	v12 =	vld [tilespmem:s26+$0xD0]  }
0x265: {  	v3 =	vadd.f32 v11, v3;
	v11 =	vld [tilespmem:s26+$0xE0]  }
0x266: {  	v14 =	vld [tilespmem:s26+$0x100];
	v2 =	vadd.f32 v13, v2  }
0x267: {  	v13 =	vld [tilespmem:s26+$0x110];
	v4 =	vadd.f32 v10, v4  }
0x268: {  	v10 =	vld [tilespmem:s26+$0x120];
	v8 =	vadd.f32 v8, v9  }
0x269: {  	v9 =	vld [tilespmem:s26+$0x130];
	v6 =	vadd.f32 v12, v6  }
0x26a: {  	v12 =	vld [tilespmem:s26+$0x140];
	v7 =	vadd.f32 v11, v7  }
0x26b: {  	v5 =	vadd.f32 v14, v5;
	v11 =	vld [tilespmem:s26+$0x150]  }
0x26c: {  	v3 =	vadd.f32 v13, v3;
	v13 =	vld [tilespmem:s26+$0x160]  }
0x26d: {  	v14 =	vld [tilespmem:s26+$0x180];
	v2 =	vadd.f32 v10, v2  }
0x26e: {  	v10 =	vld [tilespmem:s26+$0x190];
	v4 =	vadd.f32 v9, v4  }
0x26f: {  	v9 =	vld [tilespmem:s26+$0x1A0];
	v8 =	vadd.f32 v12, v8  }
0x270: {  	v12 =	vld [tilespmem:s26+$0x1B0];
	v6 =	vadd.f32 v11, v6  }
0x271: {  	v11 =	vld [tilespmem:s26+$0x1C0];
	v13 =	vadd.f32 v13, v7  }
0x272: {  	v5 =	vadd.f32 v14, v5;
	v14 =	vld [tilespmem:s26+$0x1D0]  }
0x273: {  	v3 =	vadd.f32 v10, v3;
	v10 =	vld [tilespmem:s26+$0x1E0]  }
0x274: {  	v15 =	vld [tilespmem:s0+$0xFFFFFF90];
	v16 =	vmul.f32 $5.000000000e-01, v5;
	v5 =	vadd.f32 v9, v2  }
0x275: {  	v9 =	vld [tilespmem:s0+$0xFFFFFFA0];
	v17 =	vmul.f32 $5.000000000e-01, v3;
	v4 =	vadd.f32 v12, v4  }
.Ltmp2:
0x276: {  	v2 =	vld [tilespmem:s0+$0xFFFFFFB0];
	v7 =	vmul.f32 $5.000000000e-01, v5;
	v5 =	vadd.f32 v11, v8;
	(pc) =	sbr.rel @p0 .LBB2_6-.Ltmp2, $4  }
0x277: {  	v3 =	vld [tilespmem:s0+$0xFFFFFFC0];
	v8 =	vmul.f32 $5.000000000e-01, v4;
	v11 =	vadd.f32 v14, v6  }
0x278: {  	v4 =	vld [tilespmem:s0+$0xFFFFFFD0];
	v5 =	vmul.f32 $5.000000000e-01, v5;
	v14 =	vadd.f32 v10, v13  }
0x279: {  	v12 =	vadd.f32 v16, v15;
	v6 =	vld [tilespmem:s0+$0xFFFFFFE0];
	v10 =	vmul.f32 $5.000000000e-01, v11  }
0x27a: {  	s26 =	sadd.s32 $0x400, s26;
	v13 =	vadd.f32 v17, v9;
	v9 =	vld [tilespmem:s0+$0xFFFFFFF0];
	v11 =	vmul.f32 $5.000000000e-01, v14  }
0x27b: {  	[tilespmem:s2+$0xFFFFFF90] =	vst v12;
	v2 =	vadd.f32 v7, v2  }
0x27c: {  	[tilespmem:s2+$0xFFFFFFA0] =	vst v13;
	v3 =	vadd.f32 v8, v3  }
0x27d: {  	[tilespmem:s2+$0xFFFFFFB0] =	vst v2;
	v2 =	vadd.f32 v5, v4  }
0x27e: {  	[tilespmem:s2+$0xFFFFFFC0] =	vst v3;
	v3 =	vadd.f32 v10, v6  }
0x27f: {  	[tilespmem:s2+$0xFFFFFFD0] =	vst v2;
	v2 =	vadd.f32 v11, v9  }
0x280: {  	[tilespmem:s2+$0xFFFFFFE0] =	vst v3  }
0x281: {  	[tilespmem:s2+$0xFFFFFFF0] =	vst v2  }
0x282: {  	_ =	swait.ge [sflag:s5], $0x8000  }
0x283: {  	[sflag:s5] =	ssyncset.done $0x0  }
0x284: {  	s26 =	simm.s32 $0x8200;
	[sflag:s5] =	ssyncadd.s32 $0xFFFF8000  }
0x285: {  	v2 =	vld [tilespmem:s26+$0x70]  }
0x286: {  	v3 =	vld [tilespmem:s26+$0xF0]  }
0x287: {  	v4 =	vld [tilespmem:s26+$0x80]  }
0x288: {  	v5 =	vld [tilespmem:s26+$0x170]  }
0x289: {  	v6 =	vld [tilespmem:s26+$0x10]  }
0x28a: {  	v7 =	vld [tilespmem:s26+$0x1F0]  }
0x28b: {  	v8 =	vld [tilespmem:s26+$0x90]  }
0x28c: {  	v9 =	vld [tilespmem:s26+$0x270]  }
0x28d: {  	v10 =	vld [tilespmem:s26+$0x20]  }
0x28e: {  	v11 =	vld [tilespmem:s26+$0x2F0]  }
0x28f: {  	v12 =	vld [tilespmem:s26+$0xA0]  }
0x290: {  	v13 =	vld [tilespmem:s26+$0x370]  }
0x291: {  	v14 =	vld [tilespmem:s26+$0x30]  }
0x292: {  	v15 =	vld [tilespmem:s26+$0x3F0]  }
0x293: {  	v16 =	vld [tilespmem:s26+$0xB0]  }
0x294: {  	v17 =	vld [tilespmem:s26+$0x40]  }
0x295: {  	s0 =	simm.s32 $0x103F0;
	v18 =	vld [tilespmem:s26+$0xC0]  }
0x296: {  	v19 =	vld [tilespmem:s0+$0x0]  }
0x297: {  	v20 =	vld [tilespmem:s26+$0x50]  }
0x298: {  	v21 =	vld [tilespmem:s26+$0xD0]  }
0x299: {  	v22 =	vld [tilespmem:s26+$0x60]  }
0x29a: {  	v23 =	vld [tilespmem:s26+$0xE0]  }
0x29b: {  	v24 =	vld [tilespmem:s26+$0x0]  }
0x29c: {  	v25 =	vld [tilespmem:s26+$0x100]  }
0x29d: {  	v26 =	vld [tilespmem:s26+$0x110]  }
0x29e: {  	v27 =	vld [tilespmem:s26+$0x120]  }
0x29f: {  	v28 =	vld [tilespmem:s26+$0x130]  }
0x2a0: {  	v29 =	vld [tilespmem:s26+$0x140]  }
0x2a1: {  	v30 =	vld [tilespmem:s26+$0x150]  }
0x2a2: {  	v31 =	vld [tilespmem:s26+$0x160]  }
0x2a3: {  	v32 =	vld [tilespmem:s26+$0x180]  }
0x2a4: {  	v33 =	vld [tilespmem:s26+$0x1A0]  }
0x2a5: {  	v34 =	vld [tilespmem:s26+$0x1C0]  }
0x2a6: {  	v35 =	vld [tilespmem:s26+$0x1E0]  }
0x2a7: {  	v36 =	vld [tilespmem:s26+$0x210]  }
0x2a8: {  	v37 =	vld [tilespmem:s26+$0x230]  }
0x2a9: {  	v38 =	vld [tilespmem:s26+$0x250]  }
0x2aa: {  	v50 =	vld [tilespmem:s26+$0x2A0]  }
0x2ab: {  	v52 =	vld [tilespmem:s26+$0x2B0]  }
0x2ac: {  	v54 =	vld [tilespmem:s26+$0x2C0];
	v2 =	vadd.f32 v3, v2  }
0x2ad: {  	v55 =	vld [tilespmem:s26+$0x2D0]  }
0x2ae: {  	v56 =	vld [tilespmem:s26+$0x2E0];
	v2 =	vadd.f32 v5, v2  }
0x2af: {  	v57 =	vld [tilespmem:s26+$0x300];
	v6 =	vadd.f32 v8, v6  }
0x2b0: {  	v58 =	vld [tilespmem:s26+$0x360];
	v10 =	vadd.f32 v12, v10;
	v2 =	vadd.f32 v7, v2  }
0x2b1: {  	v59 =	vld [tilespmem:s26+$0x380];
	v12 =	vadd.f32 v16, v14;
	v4 =	vadd.f32 v4, v24  }
0x2b2: {  	v3 =	vld [tilespmem:s26+$0x190];
	v49 =	vadd.f32 v18, v17;
	v2 =	vadd.f32 v9, v2  }
0x2b3: {  	v53 =	vadd.f32 v23, v22;
	v5 =	vld [tilespmem:s26+$0x1B0];
	v4 =	vadd.f32 v25, v4  }
0x2b4: {  	v60 =	vld [tilespmem:s26+$0x3B0];
	v6 =	vadd.f32 v26, v6;
	v2 =	vadd.f32 v11, v2  }
0x2b5: {  	v14 =	vld [tilespmem:s26+$0x290];
	v10 =	vadd.f32 v27, v10;
	v12 =	vadd.f32 v28, v12  }
0x2b6: {  	v16 =	vadd.f32 v29, v49;
	v9 =	vld [tilespmem:s26+$0x200];
	v2 =	vadd.f32 v13, v2  }
0x2b7: {  	v61 =	vld [tilespmem:s26+$0x3C0];
	v4 =	vadd.f32 v32, v4;
	v3 =	vadd.f32 v3, v6  }
0x2b8: {  	v6 =	vld [tilespmem:s26+$0x310];
	v5 =	vadd.f32 v5, v12;
	v2 =	vadd.f32 v15, v2  }
0x2b9: {  	v8 =	vld [tilespmem:s26+$0x280];
	v10 =	vadd.f32 v33, v10;
	v3 =	vadd.f32 v36, v3  }
0x2ba: {  	v16 =	vadd.f32 v34, v16;
	v11 =	vld [tilespmem:s26+$0x220];
	v5 =	vadd.f32 v37, v5;
	v2 =	vmul.f32 $5.000000000e-01, v2  }
0x2bb: {  	v7 =	vld [tilespmem:s26+$0x1D0];
	v3 =	vadd.f32 v14, v3;
	v4 =	vadd.f32 v9, v4  }
0x2bc: {  	v13 =	vld [tilespmem:s26+$0x240];
	v51 =	vadd.f32 v2, v19;
	v2 =	vadd.f32 v21, v20  }
0x2bd: {  	v5 =	vadd.f32 v52, v5;
	v3 =	vadd.f32 v6, v3;
	v15 =	vld [tilespmem:s26+$0x260]  }
0x2be: {  	v12 =	vld [tilespmem:s26+$0x320];
	v20 =	vadd.f32 v31, v53;
	v2 =	vadd.f32 v30, v2  }
0x2bf: {  	v9 =	vld [tilespmem:s26+$0x340];
	v10 =	vadd.f32 v11, v10;
	v4 =	vadd.f32 v8, v4  }
0x2c0: {  	v20 =	vadd.f32 v35, v20;
	v2 =	vadd.f32 v7, v2;
	v7 =	vld [tilespmem:s26+$0x330]  }
0x2c1: {  	v14 =	vld [tilespmem:s26+$0x3A0];
	v13 =	vadd.f32 v13, v16;
	v10 =	vadd.f32 v50, v10  }
0x2c2: {  	v11 =	vld [tilespmem:s26+$0x350];
	v4 =	vadd.f32 v57, v4;
	v15 =	vadd.f32 v15, v20  }
0x2c3: {  	v8 =	vld [tilespmem:s26+$0x390];
	v13 =	vadd.f32 v54, v13;
	v6 =	vadd.f32 v12, v10  }
0x2c4: {  	v10 =	vld [tilespmem:s26+$0x3D0];
	v2 =	vadd.f32 v38, v2;
	v15 =	vadd.f32 v56, v15  }
0x2c5: {  	v5 =	vadd.f32 v7, v5;
	v7 =	vadd.f32 v9, v13;
	v9 =	vld [tilespmem:s26+$0x3E0]  }
0x2c6: {  	v4 =	vadd.f32 v59, v4;
	v2 =	vadd.f32 v55, v2;
	v13 =	vld [tilespmem:s0+$0xFFFFFF90]  }
0x2c7: {  	v6 =	vadd.f32 v14, v6;
	v12 =	vadd.f32 v58, v15;
	v15 =	vld [tilespmem:s0+$0xFFFFFFA0]  }
0x2c8: {  	v8 =	vadd.f32 v8, v3;
	v62 =	vmul.f32 $5.000000000e-01, v4;
	v11 =	vadd.f32 v11, v2;
	v2 =	vld [tilespmem:s0+$0xFFFFFFB0]  }
0x2c9: {  	v3 =	vld [tilespmem:s0+$0xFFFFFFC0];
	v5 =	vadd.f32 v60, v5;
	v14 =	vadd.f32 v61, v7;
	v7 =	vmul.f32 $5.000000000e-01, v6  }
0x2ca: {  	v4 =	vld [tilespmem:s0+$0xFFFFFFD0];
	v10 =	vadd.f32 v10, v11;
	v11 =	vmul.f32 $5.000000000e-01, v8;
	v63 =	vadd.f32 v9, v12  }
0x2cb: {  	s2 =	simm.s32 $0x143F0;
	v6 =	vld [tilespmem:s0+$0xFFFFFFE0];
	v8 =	vmul.f32 $5.000000000e-01, v5;
	v5 =	vmul.f32 $5.000000000e-01, v14;
	v12 =	vadd.f32 v62, v13  }
0x2cc: {  	s25 =	simm.s32 $0x0;
	[tilespmem:s2+$0x0] =	vst v51;
	s26 =	simm.s32 $0x8600;
	v10 =	vmul.f32 $5.000000000e-01, v10;
	v13 =	vadd.f32 v11, v15;
	v9 =	vld [tilespmem:s0+$0xFFFFFFF0];
	v11 =	vmul.f32 $5.000000000e-01, v63  }
.LBB2_8:
0x2cd: {  	v14 =	vld [tilespmem:s26+$0x70];
	[tilespmem:s2+$0xFFFFFF90] =	vst v12;
	v2 =	vadd.f32 v7, v2  }
0x2ce: {  	s25 =	sadd.s32 $0x8, s25;
	v7 =	vld [tilespmem:s26+$0xF0];
	[tilespmem:s2+$0xFFFFFFA0] =	vst v13;
	v3 =	vadd.f32 v8, v3  }
0x2cf: {  	p0 =	slt.u32 s25, $0xF8;
	v8 =	vld [tilespmem:s26+$0x80];
	[tilespmem:s2+$0xFFFFFFB0] =	vst v2;
	v2 =	vadd.f32 v5, v4  }
0x2d0: {  	v4 =	vld [tilespmem:s26+$0x170];
	[tilespmem:s2+$0xFFFFFFC0] =	vst v3;
	v3 =	vadd.f32 v10, v6  }
0x2d1: {  	v5 =	vld [tilespmem:s26+$0x10];
	[tilespmem:s2+$0xFFFFFFD0] =	vst v2;
	v2 =	vadd.f32 v11, v9  }
0x2d2: {  	v6 =	vld [tilespmem:s26+$0x1F0];
	[tilespmem:s2+$0xFFFFFFE0] =	vst v3  }
0x2d3: {  	v3 =	vld [tilespmem:s26+$0x90];
	v7 =	vadd.f32 v7, v14;
	[tilespmem:s2+$0xFFFFFFF0] =	vst v2  }
0x2d4: {  	v2 =	vld [tilespmem:s26+$0x270]  }
0x2d5: {  	v9 =	vld [tilespmem:s26+$0x20];
	v4 =	vadd.f32 v4, v7  }
0x2d6: {  	v7 =	vld [tilespmem:s26+$0x2F0]  }
0x2d7: {  	v10 =	vld [tilespmem:s26+$0xA0];
	v4 =	vadd.f32 v6, v4  }
0x2d8: {  	v3 =	vadd.f32 v3, v5;
	v5 =	vld [tilespmem:s26+$0x370]  }
0x2d9: {  	v6 =	vld [tilespmem:s26+$0x30];
	v2 =	vadd.f32 v2, v4  }
0x2da: {  	v4 =	vld [tilespmem:s26+$0x3F0]  }
0x2db: {  	v11 =	vld [tilespmem:s26+$0xB0];
	v2 =	vadd.f32 v7, v2  }
0x2dc: {  	v7 =	vadd.f32 v10, v9;
	v9 =	vld [tilespmem:s26+$0x40]  }
0x2dd: {  	s0 =	sadd.s32 $0x200, s0;
	v10 =	vld [tilespmem:s26+$0xC0];
	v2 =	vadd.f32 v5, v2  }
0x2de: {  	v5 =	vld [tilespmem:s0+$0x0]  }
0x2df: {  	v12 =	vld [tilespmem:s26+$0x50];
	v2 =	vadd.f32 v4, v2  }
0x2e0: {  	v4 =	vadd.f32 v11, v6;
	v6 =	vld [tilespmem:s26+$0xD0]  }
0x2e1: {  	v11 =	vld [tilespmem:s26+$0x60];
	v2 =	vmul.f32 $5.000000000e-01, v2  }
0x2e2: {  	v9 =	vadd.f32 v10, v9;
	v10 =	vld [tilespmem:s26+$0xE0]  }
0x2e3: {  	v13 =	vld [tilespmem:s26+$0x0];
	v2 =	vadd.f32 v2, v5  }
0x2e4: {  	s2 =	sadd.s32 $0x200, s2;
	v5 =	vld [tilespmem:s26+$0x100]  }
0x2e5: {  	v14 =	vld [tilespmem:s26+$0x110];
	v6 =	vadd.f32 v6, v12;
	[tilespmem:s2+$0x0] =	vst v2  }
0x2e6: {  	v2 =	vld [tilespmem:s26+$0x120]  }
0x2e7: {  	v12 =	vld [tilespmem:s26+$0x130];
	v10 =	vadd.f32 v10, v11  }
0x2e8: {  	v8 =	vadd.f32 v8, v13;
	v11 =	vld [tilespmem:s26+$0x140]  }
0x2e9: {  	v13 =	vld [tilespmem:s26+$0x150]  }
0x2ea: {  	v5 =	vadd.f32 v5, v8;
	v3 =	vadd.f32 v14, v3;
	v8 =	vld [tilespmem:s26+$0x160]  }
0x2eb: {  	v14 =	vld [tilespmem:s26+$0x180];
	v2 =	vadd.f32 v2, v7  }
0x2ec: {  	v7 =	vld [tilespmem:s26+$0x190];
	v4 =	vadd.f32 v12, v4  }
0x2ed: {  	v12 =	vld [tilespmem:s26+$0x1A0];
	v9 =	vadd.f32 v11, v9  }
0x2ee: {  	v11 =	vld [tilespmem:s26+$0x1B0];
	v6 =	vadd.f32 v13, v6  }
0x2ef: {  	v13 =	vld [tilespmem:s26+$0x1C0];
	v8 =	vadd.f32 v8, v10  }
0x2f0: {  	v5 =	vadd.f32 v14, v5;
	v10 =	vld [tilespmem:s26+$0x1D0]  }
0x2f1: {  	v3 =	vadd.f32 v7, v3;
	v7 =	vld [tilespmem:s26+$0x1E0]  }
0x2f2: {  	v14 =	vld [tilespmem:s26+$0x200];
	v2 =	vadd.f32 v12, v2  }
0x2f3: {  	v12 =	vld [tilespmem:s26+$0x210];
	v4 =	vadd.f32 v11, v4  }
0x2f4: {  	v11 =	vld [tilespmem:s26+$0x220];
	v9 =	vadd.f32 v13, v9  }
0x2f5: {  	v13 =	vld [tilespmem:s26+$0x230];
	v6 =	vadd.f32 v10, v6  }
0x2f6: {  	v10 =	vld [tilespmem:s26+$0x240];
	v7 =	vadd.f32 v7, v8  }
0x2f7: {  	v5 =	vadd.f32 v14, v5;
	v8 =	vld [tilespmem:s26+$0x250]  }
0x2f8: {  	v3 =	vadd.f32 v12, v3;
	v12 =	vld [tilespmem:s26+$0x260]  }
0x2f9: {  	v14 =	vld [tilespmem:s26+$0x280];
	v2 =	vadd.f32 v11, v2  }
0x2fa: {  	v11 =	vld [tilespmem:s26+$0x290];
	v4 =	vadd.f32 v13, v4  }
0x2fb: {  	v13 =	vld [tilespmem:s26+$0x2A0];
	v9 =	vadd.f32 v10, v9  }
0x2fc: {  	v10 =	vld [tilespmem:s26+$0x2B0];
	v6 =	vadd.f32 v8, v6  }
0x2fd: {  	v8 =	vld [tilespmem:s26+$0x2C0];
	v7 =	vadd.f32 v12, v7  }
0x2fe: {  	v5 =	vadd.f32 v14, v5;
	v12 =	vld [tilespmem:s26+$0x2D0]  }
0x2ff: {  	v3 =	vadd.f32 v11, v3;
	v11 =	vld [tilespmem:s26+$0x2E0]  }
0x300: {  	v14 =	vld [tilespmem:s26+$0x300];
	v2 =	vadd.f32 v13, v2  }
0x301: {  	v13 =	vld [tilespmem:s26+$0x310];
	v4 =	vadd.f32 v10, v4  }
0x302: {  	v10 =	vld [tilespmem:s26+$0x320];
	v8 =	vadd.f32 v8, v9  }
0x303: {  	v9 =	vld [tilespmem:s26+$0x330];
	v6 =	vadd.f32 v12, v6  }
0x304: {  	v12 =	vld [tilespmem:s26+$0x340];
	v7 =	vadd.f32 v11, v7  }
0x305: {  	v5 =	vadd.f32 v14, v5;
	v11 =	vld [tilespmem:s26+$0x350]  }
0x306: {  	v3 =	vadd.f32 v13, v3;
	v13 =	vld [tilespmem:s26+$0x360]  }
0x307: {  	v14 =	vld [tilespmem:s26+$0x380];
	v2 =	vadd.f32 v10, v2  }
0x308: {  	v10 =	vld [tilespmem:s26+$0x390];
	v4 =	vadd.f32 v9, v4  }
0x309: {  	v9 =	vld [tilespmem:s26+$0x3A0];
	v8 =	vadd.f32 v12, v8  }
0x30a: {  	v12 =	vld [tilespmem:s26+$0x3B0];
	v6 =	vadd.f32 v11, v6  }
0x30b: {  	v11 =	vld [tilespmem:s26+$0x3C0];
	v13 =	vadd.f32 v13, v7  }
0x30c: {  	v5 =	vadd.f32 v14, v5;
	v14 =	vld [tilespmem:s26+$0x3D0]  }
0x30d: {  	v3 =	vadd.f32 v10, v3;
	v10 =	vld [tilespmem:s26+$0x3E0]  }
0x30e: {  	v15 =	vld [tilespmem:s0+$0xFFFFFF90];
	v16 =	vmul.f32 $5.000000000e-01, v5;
	v5 =	vadd.f32 v9, v2  }
0x30f: {  	v9 =	vld [tilespmem:s0+$0xFFFFFFA0];
	v17 =	vmul.f32 $5.000000000e-01, v3;
	v4 =	vadd.f32 v12, v4  }
.Ltmp3:
0x310: {  	v2 =	vld [tilespmem:s0+$0xFFFFFFB0];
	v7 =	vmul.f32 $5.000000000e-01, v5;
	v5 =	vadd.f32 v11, v8;
	(pc) =	sbr.rel @p0 .LBB2_8-.Ltmp3, $4  }
0x311: {  	v3 =	vld [tilespmem:s0+$0xFFFFFFC0];
	v8 =	vmul.f32 $5.000000000e-01, v4;
	v11 =	vadd.f32 v14, v6  }
0x312: {  	v4 =	vld [tilespmem:s0+$0xFFFFFFD0];
	v5 =	vmul.f32 $5.000000000e-01, v5;
	v14 =	vadd.f32 v10, v13  }
0x313: {  	v12 =	vadd.f32 v16, v15;
	v6 =	vld [tilespmem:s0+$0xFFFFFFE0];
	v10 =	vmul.f32 $5.000000000e-01, v11  }
0x314: {  	s26 =	sadd.s32 $0x400, s26;
	v13 =	vadd.f32 v17, v9;
	v9 =	vld [tilespmem:s0+$0xFFFFFFF0];
	v11 =	vmul.f32 $5.000000000e-01, v14  }
0x315: {  	[tilespmem:s2+$0xFFFFFF90] =	vst v12;
	v2 =	vadd.f32 v7, v2  }
0x316: {  	[tilespmem:s2+$0xFFFFFFA0] =	vst v13;
	v3 =	vadd.f32 v8, v3  }
0x317: {  	[tilespmem:s2+$0xFFFFFFB0] =	vst v2;
	v2 =	vadd.f32 v5, v4  }
0x318: {  	[tilespmem:s2+$0xFFFFFFC0] =	vst v3;
	v3 =	vadd.f32 v10, v6  }
0x319: {  	[tilespmem:s2+$0xFFFFFFD0] =	vst v2;
	v2 =	vadd.f32 v11, v9  }
0x31a: {  	[tilespmem:s2+$0xFFFFFFE0] =	vst v3  }
0x31b: {  	[tilespmem:s2+$0xFFFFFFF0] =	vst v2  }
0x31c: {  	s25 =	simm.s32 $0x14200;
	s0 =	rddreg [dreg:$0x6]  }
0x31d: {  	[hbm4b:s0+s24] =	stream.strided.scatter [tilespmem:s25], [sflag:$0x3], $0x4000, s22, s24, $0x38;
	[tilespmem:$0x18200] =	vst v63  }
0x31e: {  	_ =	swait.ge [sflag:s23], $0x4000  }
0x31f: {  	s4 =	sadd.s32 $0x1, s4;
	s26 =	rddreg [dreg:$0x7]  }
0x320: {  	p0 =	sne.s32 s4, s26  }
.Ltmp4:
0x321: {  	_ = 	snop;
	(pc) =	sbr.rel @p0 .LBB2_1-.Ltmp4, $3  }
0x322: {  	_ =	sdelay $0x1  }
0x323: {  	[sflag:s23] =	ssyncset.done $0x0  }
0x324: {  	[sflag:s23] =	ssyncadd.s32 $0xFFFFC000  }
0x325: {  	_ =	sfence.sel $0x180000  }
0x326: {  	[bflag:$0x0] =	sbarrier.arrive $0xFFFF  }
0x327: {  	_ =	strace $0x90000047  }
0x328: {  	s0 =	stileid.u32;
	[bflag:$0x2] =	sbarrier.arrive $0xFFFF  }
0x329: {  	p0 =	sne.s32 s0, $0x0;
	s0 =	rddreg [dreg:$0x3]  }
0x32a: {  	s0 =	sadd.s32 @!p0 $0x100000, s0  }
0x32b: {  	[sflag:s0] =	ssyncadd.tile.s32 @!p0 $0x1;
	_ =	shalt  }
.Lfunc_end2:
_tile_overlayer_lowered:
.L_overlay_start_2:
0x32c: {  	(tag) =	ssettag $0x2  }
0x32d: {  	s0 =	rddreg [dreg:$0x0];
	s2 =	stileid.u32  }
0x32e: {  	s1 =	rddreg [dreg:$0x1];
	p0 =	sne.s32 s2, $0x0  }
0x32f: {  	s3 =	rddreg [dreg:$0x2];
	[bflag:$0x3] =	sbarrier.arrive $0xFFFF;
	s2 =	simm.s32 @!p0 $0x1C03  }
0x330: {  	[timem:s3], [sflag:s2] =	dma.local @!p0 [hbm:s0], s1  }
0x331: {  	s0 =	simm.s32 @!p0 $0x3  }
0x332: {  	_ =	swait.ge @!p0 [sflag:s0], s1  }
0x333: {  	s1 =	ssub.s32 @!p0 $0x0, s1;
	[sflag:s0] =	ssyncset.done @!p0 $0x0  }
0x334: {  	[sflag:s0] =	ssyncadd.s32 @!p0 s1  }
0x335: {  	[bflag:$0x3] =	sbarrier.arrive $0xFFFF  }
0x336: {  	_ =	shalt  }

</sc_bundles>
